<compile_context>
chip_gen: v7x
topology: tpu7x:2x2x1
jax: 0.10.2.dev20260603
libtpu: 0.0.44.dev20260713+nightly
codegen_flags: <defaults>
</compile_context>

<pallas_src>
import functools

import jax
import jax.numpy as jnp
import numpy as np
from jax import lax
from jax.experimental import pallas as pl
from jax.experimental.pallas import tpu as pltpu
from jax.experimental.pallas import tpu_sc as plsc

B = 16384
TEMPERATURE = 0.05
MAX_SCALE = 1.0 - 0.001

NC = 2
NS = 16
NW = NC * NS
TPW = B // NW
IPW = 3 * TPW
IDX_ROWS = IPW // 128
CHUNKS = TPW // 16


def _sc_gather(ids_t_flat, exy, n_nodes):
  mesh = plsc.VectorSubcoreMesh(
      core_axis_name="c", subcore_axis_name="s", num_cores=NC, num_subcores=NS)

  @functools.partial(
      pl.kernel,
      out_type=jax.ShapeDtypeStruct((6 * B,), jnp.float32),
      mesh=mesh,
      scratch_types=[
          pltpu.VMEM((IPW,), jnp.int32),
          pltpu.VMEM((6 * TPW,), jnp.float32),
          pltpu.SemaphoreType.DMA,
          pltpu.SemaphoreType.DMA,
      ],
  )
  def gather_kernel(ids_hbm, exy_hbm, out_hbm, ids_v, comp_v, sem, stage_sem):
    wid = lax.axis_index("s") * NC + lax.axis_index("c")
    base = wid * TPW
    stages = [
        pltpu.async_copy(ids_hbm.at[pl.ds(j * B + base, TPW)],
                         ids_v.at[pl.ds(j * TPW, TPW)], stage_sem)
        for j in range(3)
    ]

    ey_hbm = exy_hbm.at[pl.ds(n_nodes, n_nodes)]
    copies = []
    for j in range(3):
      stages[j].wait()
      for q in range(TPW // 128):
        off = j * TPW + q * 128
        idx = ids_v.at[pl.ds(off, 128)]
        copies.append(pltpu.async_copy(
            exy_hbm.at[idx],
            comp_v.at[pl.ds((2 * j) * TPW + q * 128, 128)], sem))
        copies.append(pltpu.async_copy(
            ey_hbm.at[idx],
            comp_v.at[pl.ds((2 * j + 1) * TPW + q * 128, 128)], sem))
    for c in copies:
      c.wait()

    outs = [
        pltpu.async_copy(comp_v.at[pl.ds(r * TPW, TPW)],
                         out_hbm.at[pl.ds(r * B + base, TPW)], sem)
        for r in range(6)
    ]
    for o in outs:
      o.wait()

  return gather_kernel(ids_t_flat, exy)


def _hyp_lca_dist(ax, ay, bx, by):
  tiny = 1e-30
  xn2 = jnp.maximum(ax * ax + ay * ay, tiny)
  rx = ax / xn2
  ry = ay / xn2
  r2 = (rx * rx + ry * ry) - 1.0
  ux = bx - rx
  uy = by - ry
  t = r2 / jnp.maximum(ux * ux + uy * uy, tiny)
  yix = t * ux + rx
  yiy = t * uy + ry
  xta = ax * yix + ay * yiy
  c = 2.0 * xta / jnp.maximum(yix * yix + yiy * yiy, tiny)
  ox = c * yix - ax
  oy = c * yiy - ay
  u2x = ox - rx
  u2y = oy - ry
  t2 = r2 / jnp.maximum(u2x * u2x + u2y * u2y, tiny)
  orx = t2 * u2x + rx
  ory = t2 * u2y + ry
  on2 = orx * orx + ory * ory
  denom = 1.0 + jnp.sqrt(jnp.maximum(1.0 - on2, 0.0))
  pn = jnp.minimum(jnp.sqrt(on2) / denom, np.float32(1.0 - 1e-7))
  return jnp.log((1.0 + pn) / (1.0 - pn))


def _tc_math_kernel(e_ref, sim_ref, scale_ref, out_ref):
  s = jnp.clip(scale_ref[0, 0], 0.01, MAX_SCALE)
  eps = 1e-12

  comps = []
  for j in range(3):
    x = e_ref[2 * j]
    y = e_ref[2 * j + 1]
    n = jnp.sqrt(x * x + y * y)
    f = s / jnp.maximum(n, eps)
    comps.append((x * f, y * f))
  (x1, y1), (x2, y2), (x3, y3) = comps

  inv_t = np.float32(1.0 / TEMPERATURE)
  a12 = _hyp_lca_dist(x1, y1, x2, y2) * inv_t
  a13 = _hyp_lca_dist(x1, y1, x3, y3) * inv_t
  a23 = _hyp_lca_dist(x2, y2, x3, y3) * inv_t

  m = jnp.maximum(jnp.maximum(a12, a13), a23)
  w12 = jnp.exp(a12 - m)
  w13 = jnp.exp(a13 - m)
  w23 = jnp.exp(a23 - m)
  z = w12 + w13 + w23

  s1 = sim_ref[0]
  s2 = sim_ref[1]
  s3 = sim_ref[2]
  w_ord = (s1 * w12 + s2 * w13 + s3 * w23) / z
  total = (s1 + s2 + s3) - w_ord
  out_ref[0, 0] = jnp.sum(total) / np.float32(B)


def kernel(triple_ids, similarities, embeddings, scale):
  n_nodes = embeddings.shape[0]
  ids = triple_ids.astype(jnp.int32).T.reshape(3 * B)
  comps = _sc_gather(ids, embeddings.T.reshape(2 * n_nodes), n_nodes)

  e = comps.reshape(6, 128, 128)
  sim = similarities.T.reshape(3, 128, 128)
  sc = scale.reshape(1, 1)

  out = pl.pallas_call(
      _tc_math_kernel,
      out_shape=jax.ShapeDtypeStruct((1, 1), jnp.float32),
      out_specs=pl.BlockSpec(memory_space=pltpu.MemorySpace.SMEM),
  )(e, sim, sc)
  return out[0, 0]

# --- scband reference (transcript-rebuilt; emitter-appended) ---
"""Pipeline reference for scband-hyp-hc-18640158064991 (READ-ONLY COPY).

The authoritative reference and input builder live on the scoring server;
editing this copy changes nothing except your own understanding.
"""

import jax, jax.numpy as jnp
import numpy as np

N_NODES = 1000000
RANK = 2
TEMPERATURE = 0.05
INIT_SIZE = 0.001
MAX_SCALE = 1.0 - 0.001
B = 16384


def _normalize(x, eps=1e-12):
    n = jnp.sqrt(jnp.sum(x * x, axis=-1, keepdims=True))
    return x / jnp.maximum(n, eps)


def normalize_embeddings(e, scale):
    s = jnp.clip(scale, 0.01, MAX_SCALE)
    return _normalize(e) * s


def reflection_center(mu):
    return mu / jnp.sum(mu * mu, axis=-1, keepdims=True)


def isometric_transform(a, x):
    r2 = jnp.sum(a * a, axis=-1, keepdims=True) - 1.0
    u = x - a
    return r2 / jnp.sum(u * u, axis=-1, keepdims=True) * u + a


def euc_reflection(x, a):
    xTa = jnp.sum(x * a, axis=-1, keepdims=True)
    norm_a_sq = jnp.sum(a * a, axis=-1, keepdims=True)
    proj = xTa * a / norm_a_sq
    return 2.0 * proj - x


def _halve(x):
    return x / (1.0 + jnp.sqrt(1.0 - jnp.sum(x * x, axis=-1, keepdims=True)))


def hyp_dist_o(x):
    x_norm = jnp.sqrt(jnp.sum(x * x, axis=-1, keepdims=True))
    return 2.0 * jnp.arctanh(x_norm)


def hyp_lca(x, y):
    # projection of the origin on the geodesic between x and y (HypHC, HazyResearch)
    r = reflection_center(x)
    y_inv = isometric_transform(r, y)
    o_inv = x
    o_inv_ref = euc_reflection(o_inv, y_inv)
    o_ref = isometric_transform(r, o_inv_ref)
    proj = _halve(o_ref)
    return hyp_dist_o(proj)


def setup_inputs(seed: int = 0) -> dict:
    key = jax.random.key(seed)
    k1, k2, k3, k4, k5, k6 = jax.random.split(key, 6)
    # sample 3 pairwise-distinct node ids per triple (Fisher-Yates correction)
    r0 = jax.random.randint(k1, (B,), 0, N_NODES)
    r1 = jax.random.randint(k2, (B,), 0, N_NODES - 1)
    r2 = jax.random.randint(k3, (B,), 0, N_NODES - 2)
    id0 = r0
    id1 = r1 + (r1 >= id0).astype(r1.dtype)
    lo = jnp.minimum(id0, id1)
    hi = jnp.maximum(id0, id1)
    id2 = r2 + (r2 >= lo).astype(r2.dtype)
    id2 = id2 + (id2 >= hi).astype(id2.dtype)
    triple_ids = jnp.stack([id0, id1, id2], axis=1).astype(jnp.int64)
    similarities = jax.random.uniform(k4, (B, 3), dtype=jnp.float32)
    # embedding table init: F.normalize(randn) * rand * init_size
    emb = jax.random.normal(k5, (N_NODES, RANK), dtype=jnp.float32)
    emb = _normalize(emb) * jax.random.uniform(k6, (N_NODES, 1), dtype=jnp.float32) * INIT_SIZE
    scale = jnp.array([INIT_SIZE], dtype=jnp.float32)
    return {"triple_ids": triple_ids, "similarities": similarities, "embeddings": emb, "scale": scale}


def reference(triple_ids, similarities, embeddings, scale):
    e1 = jnp.take(embeddings, triple_ids[:, 0], axis=0)
    e2 = jnp.take(embeddings, triple_ids[:, 1], axis=0)
    e3 = jnp.take(embeddings, triple_ids[:, 2], axis=0)
    e1 = normalize_embeddings(e1, scale)
    e2 = normalize_embeddings(e2, scale)
    e3 = normalize_embeddings(e3, scale)
    d_12 = hyp_lca(e1, e2)
    d_13 = hyp_lca(e1, e3)
    d_23 = hyp_lca(e2, e3)
    lca_norm = jnp.concatenate([d_12, d_13, d_23], axis=-1)
    weights = jax.nn.softmax(lca_norm / TEMPERATURE, axis=-1)
    w_ord = jnp.sum(similarities * weights, axis=-1, keepdims=True)
    total = jnp.sum(similarities, axis=-1, keepdims=True) - w_ord
    return jnp.mean(total)

if __name__ == "__main__":
    import jax
    _d = setup_inputs()
    print(jax.jit(kernel)(*tuple(_d.values())))

</pallas_src>

<mosaic_0001>
#map = affine_map<(d0, d1) -> (0)>
module attributes {stable_mosaic.version = 14 : i64} {
  func.func @gather_kernel(%arg0: i32, %arg1: i32, %arg2: memref<49152xi32, #tpu.memory_space<hbm>>, %arg3: memref<2000000xf32, #tpu.memory_space<hbm>>, %arg4: memref<98304xf32, #tpu.memory_space<hbm>>, %arg5: memref<1536xi32, #tpu.memory_space<vmem>>, %arg6: memref<3072xf32, #tpu.memory_space<vmem>>, %arg7: memref<!tpu.dma_semaphore, #tpu.memory_space<semaphore_mem>>, %arg8: memref<!tpu.dma_semaphore, #tpu.memory_space<semaphore_mem>>) attributes {dimension_semantics = [#tpu.dimension_semantics<core_parallel>, #tpu.dimension_semantics<subcore_parallel>], iteration_bounds = array<i64: 2, 16>, scalar_prefetch = 0 : i64, scratch_operands = 4 : i64, tpu.core_type = #tpu.core_type<sc_vector_subcore>, window_params = [{transform_indices = #map}, {transform_indices = #map}, {transform_indices = #map}]} {
    %mul3A = arith.constant 2 : i32
    %mul3A_0 = arith.muli %arg1, %mul3A : i32
    %add3A = arith.addi %mul3A_0, %arg0 : i32
    %mul3A_1 = arith.constant 512 : i32
    %mul3A_2 = arith.muli %add3A, %mul3A_1 : i32
    %add3A_3 = arith.constant 0 : i32
    %add3A_4 = arith.addi %add3A_3, %mul3A_2 : i32
    %dma_start3A = arith.constant 0 : i32
    %dma_start3A_5 = tpu.memref_slice %arg5[%dma_start3A] : memref<1536xi32, #tpu.memory_space<vmem>> -> memref<512xi32, #tpu.memory_space<vmem>>
    %dma_start3A_6 = tpu.memref_slice %arg2[%add3A_4] : memref<49152xi32, #tpu.memory_space<hbm>> -> memref<512xi32, #tpu.memory_space<hbm>>
    %dma_start3A_7 = arith.constant 0 : i32
    %dma_start3A_8 = tpu.memref_slice %arg5[%dma_start3A_7] : memref<1536xi32, #tpu.memory_space<vmem>> -> memref<512xi32, #tpu.memory_space<vmem>>
    %dma_start3A_9 = tpu.memref_slice %arg2[%add3A_4] : memref<49152xi32, #tpu.memory_space<hbm>> -> memref<512xi32, #tpu.memory_space<hbm>>
    tpu.enqueue_dma source(%dma_start3A_9 : memref<512xi32, #tpu.memory_space<hbm>>) target(%dma_start3A_8 : memref<512xi32, #tpu.memory_space<vmem>>) target_semaphore(%arg8 : memref<!tpu.dma_semaphore, #tpu.memory_space<semaphore_mem>>)
    %add3A_10 = arith.constant 16384 : i32
    %add3A_11 = arith.addi %add3A_10, %mul3A_2 : i32
    %dma_start3A_12 = arith.constant 512 : i32
    %dma_start3A_13 = tpu.memref_slice %arg5[%dma_start3A_12] : memref<1536xi32, #tpu.memory_space<vmem>> -> memref<512xi32, #tpu.memory_space<vmem>>
    %dma_start3A_14 = tpu.memref_slice %arg2[%add3A_11] : memref<49152xi32, #tpu.memory_space<hbm>> -> memref<512xi32, #tpu.memory_space<hbm>>
    %dma_start3A_15 = arith.constant 512 : i32
    %dma_start3A_16 = tpu.memref_slice %arg5[%dma_start3A_15] : memref<1536xi32, #tpu.memory_space<vmem>> -> memref<512xi32, #tpu.memory_space<vmem>>
    %dma_start3A_17 = tpu.memref_slice %arg2[%add3A_11] : memref<49152xi32, #tpu.memory_space<hbm>> -> memref<512xi32, #tpu.memory_space<hbm>>
    tpu.enqueue_dma source(%dma_start3A_17 : memref<512xi32, #tpu.memory_space<hbm>>) target(%dma_start3A_16 : memref<512xi32, #tpu.memory_space<vmem>>) target_semaphore(%arg8 : memref<!tpu.dma_semaphore, #tpu.memory_space<semaphore_mem>>)
    %add3A_18 = arith.constant 32768 : i32
    %add3A_19 = arith.addi %add3A_18, %mul3A_2 : i32
    %dma_start3A_20 = arith.constant 1024 : i32
    %dma_start3A_21 = tpu.memref_slice %arg5[%dma_start3A_20] : memref<1536xi32, #tpu.memory_space<vmem>> -> memref<512xi32, #tpu.memory_space<vmem>>
    %dma_start3A_22 = tpu.memref_slice %arg2[%add3A_19] : memref<49152xi32, #tpu.memory_space<hbm>> -> memref<512xi32, #tpu.memory_space<hbm>>
    %dma_start3A_23 = arith.constant 1024 : i32
    %dma_start3A_24 = tpu.memref_slice %arg5[%dma_start3A_23] : memref<1536xi32, #tpu.memory_space<vmem>> -> memref<512xi32, #tpu.memory_space<vmem>>
    %dma_start3A_25 = tpu.memref_slice %arg2[%add3A_19] : memref<49152xi32, #tpu.memory_space<hbm>> -> memref<512xi32, #tpu.memory_space<hbm>>
    tpu.enqueue_dma source(%dma_start3A_25 : memref<512xi32, #tpu.memory_space<hbm>>) target(%dma_start3A_24 : memref<512xi32, #tpu.memory_space<vmem>>) target_semaphore(%arg8 : memref<!tpu.dma_semaphore, #tpu.memory_space<semaphore_mem>>)
    %dma_wait3A = arith.constant 0 : i32
    %dma_wait3A_26 = tpu.memref_slice %arg5[%dma_wait3A] : memref<1536xi32, #tpu.memory_space<vmem>> -> memref<512xi32, #tpu.memory_space<vmem>>
    %dma_wait3A_27 = tpu.memref_slice %arg2[%add3A_4] : memref<49152xi32, #tpu.memory_space<hbm>> -> memref<512xi32, #tpu.memory_space<hbm>>
    %dma_wait3A_28 = arith.constant 0 : i32
    %dma_wait3A_29 = tpu.memref_slice %arg5[%dma_wait3A_28] : memref<1536xi32, #tpu.memory_space<vmem>> -> memref<512xi32, #tpu.memory_space<vmem>>
    %dma_wait3A_30 = tpu.memref_slice %arg2[%add3A_4] : memref<49152xi32, #tpu.memory_space<hbm>> -> memref<512xi32, #tpu.memory_space<hbm>>
    tpu.wait_dma2 semaphore(%arg8 : memref<!tpu.dma_semaphore, #tpu.memory_space<semaphore_mem>>) src(%dma_wait3A_30 : memref<512xi32, #tpu.memory_space<hbm>>) dst(%dma_wait3A_29 : memref<512xi32, #tpu.memory_space<vmem>>)
    %dma_start3A_31 = arith.constant 0 : i32
    %dma_start3A_32 = tpu.memref_slice %arg6[%dma_start3A_31] : memref<3072xf32, #tpu.memory_space<vmem>> -> memref<128xf32, #tpu.memory_space<vmem>>
    %dma_start3A_33 = arith.constant 0 : i32
    %dma_start3A_34 = tpu.memref_slice %arg5[%dma_start3A_33] : memref<1536xi32, #tpu.memory_space<vmem>> -> memref<128xi32, #tpu.memory_space<vmem>>
    %dma_start3A_35 = arith.constant 0 : i32
    %dma_start3A_36 = tpu.memref_slice %arg3[%dma_start3A_35] : memref<2000000xf32, #tpu.memory_space<hbm>> -> memref<2000000xf32, #tpu.memory_space<hbm>>
    tpu.enqueue_indirect_dma source(%dma_start3A_36 : memref<2000000xf32, #tpu.memory_space<hbm>>) target(%dma_start3A_32 : memref<128xf32, #tpu.memory_space<vmem>>) offsets(%dma_start3A_34 : memref<128xi32, #tpu.memory_space<vmem>>) semaphore(%arg7 : memref<!tpu.dma_semaphore, #tpu.memory_space<semaphore_mem>>)
    %dma_start3A_37 = arith.constant 512 : i32
    %dma_start3A_38 = tpu.memref_slice %arg6[%dma_start3A_37] : memref<3072xf32, #tpu.memory_space<vmem>> -> memref<128xf32, #tpu.memory_space<vmem>>
    %dma_start3A_39 = arith.constant 0 : i32
    %dma_start3A_40 = tpu.memref_slice %arg5[%dma_start3A_39] : memref<1536xi32, #tpu.memory_space<vmem>> -> memref<128xi32, #tpu.memory_space<vmem>>
    %dma_start3A_41 = arith.constant 1000000 : i32
    %dma_start3A_42 = tpu.memref_slice %arg3[%dma_start3A_41] : memref<2000000xf32, #tpu.memory_space<hbm>> -> memref<1000000xf32, #tpu.memory_space<hbm>>
    %dma_start3A_43 = arith.constant 0 : i32
    %dma_start3A_44 = tpu.memref_slice %dma_start3A_42[%dma_start3A_43] : memref<1000000xf32, #tpu.memory_space<hbm>> -> memref<1000000xf32, #tpu.memory_space<hbm>>
    tpu.enqueue_indirect_dma source(%dma_start3A_44 : memref<1000000xf32, #tpu.memory_space<hbm>>) target(%dma_start3A_38 : memref<128xf32, #tpu.memory_space<vmem>>) offsets(%dma_start3A_40 : memref<128xi32, #tpu.memory_space<vmem>>) semaphore(%arg7 : memref<!tpu.dma_semaphore, #tpu.memory_space<semaphore_mem>>)
    %dma_start3A_45 = arith.constant 128 : i32
    %dma_start3A_46 = tpu.memref_slice %arg6[%dma_start3A_45] : memref<3072xf32, #tpu.memory_space<vmem>> -> memref<128xf32, #tpu.memory_space<vmem>>
    %dma_start3A_47 = arith.constant 128 : i32
    %dma_start3A_48 = tpu.memref_slice %arg5[%dma_start3A_47] : memref<1536xi32, #tpu.memory_space<vmem>> -> memref<128xi32, #tpu.memory_space<vmem>>
    %dma_start3A_49 = arith.constant 0 : i32
    %dma_start3A_50 = tpu.memref_slice %arg3[%dma_start3A_49] : memref<2000000xf32, #tpu.memory_space<hbm>> -> memref<2000000xf32, #tpu.memory_space<hbm>>
    tpu.enqueue_indirect_dma source(%dma_start3A_50 : memref<2000000xf32, #tpu.memory_space<hbm>>) target(%dma_start3A_46 : memref<128xf32, #tpu.memory_space<vmem>>) offsets(%dma_start3A_48 : memref<128xi32, #tpu.memory_space<vmem>>) semaphore(%arg7 : memref<!tpu.dma_semaphore, #tpu.memory_space<semaphore_mem>>)
    %dma_start3A_51 = arith.constant 640 : i32
    %dma_start3A_52 = tpu.memref_slice %arg6[%dma_start3A_51] : memref<3072xf32, #tpu.memory_space<vmem>> -> memref<128xf32, #tpu.memory_space<vmem>>
    %dma_start3A_53 = arith.constant 128 : i32
    %dma_start3A_54 = tpu.memref_slice %arg5[%dma_start3A_53] : memref<1536xi32, #tpu.memory_space<vmem>> -> memref<128xi32, #tpu.memory_space<vmem>>
    %dma_start3A_55 = arith.constant 1000000 : i32
    %dma_start3A_56 = tpu.memref_slice %arg3[%dma_start3A_55] : memref<2000000xf32, #tpu.memory_space<hbm>> -> memref<1000000xf32, #tpu.memory_space<hbm>>
    %dma_start3A_57 = arith.constant 0 : i32
    %dma_start3A_58 = tpu.memref_slice %dma_start3A_56[%dma_start3A_57] : memref<1000000xf32, #tpu.memory_space<hbm>> -> memref<1000000xf32, #tpu.memory_space<hbm>>
    tpu.enqueue_indirect_dma source(%dma_start3A_58 : memref<1000000xf32, #tpu.memory_space<hbm>>) target(%dma_start3A_52 : memref<128xf32, #tpu.memory_space<vmem>>) offsets(%dma_start3A_54 : memref<128xi32, #tpu.memory_space<vmem>>) semaphore(%arg7 : memref<!tpu.dma_semaphore, #tpu.memory_space<semaphore_mem>>)
    %dma_start3A_59 = arith.constant 256 : i32
    %dma_start3A_60 = tpu.memref_slice %arg6[%dma_start3A_59] : memref<3072xf32, #tpu.memory_space<vmem>> -> memref<128xf32, #tpu.memory_space<vmem>>
    %dma_start3A_61 = arith.constant 256 : i32
    %dma_start3A_62 = tpu.memref_slice %arg5[%dma_start3A_61] : memref<1536xi32, #tpu.memory_space<vmem>> -> memref<128xi32, #tpu.memory_space<vmem>>
    %dma_start3A_63 = arith.constant 0 : i32
    %dma_start3A_64 = tpu.memref_slice %arg3[%dma_start3A_63] : memref<2000000xf32, #tpu.memory_space<hbm>> -> memref<2000000xf32, #tpu.memory_space<hbm>>
    tpu.enqueue_indirect_dma source(%dma_start3A_64 : memref<2000000xf32, #tpu.memory_space<hbm>>) target(%dma_start3A_60 : memref<128xf32, #tpu.memory_space<vmem>>) offsets(%dma_start3A_62 : memref<128xi32, #tpu.memory_space<vmem>>) semaphore(%arg7 : memref<!tpu.dma_semaphore, #tpu.memory_space<semaphore_mem>>)
    %dma_start3A_65 = arith.constant 768 : i32
    %dma_start3A_66 = tpu.memref_slice %arg6[%dma_start3A_65] : memref<3072xf32, #tpu.memory_space<vmem>> -> memref<128xf32, #tpu.memory_space<vmem>>
    %dma_start3A_67 = arith.constant 256 : i32
    %dma_start3A_68 = tpu.memref_slice %arg5[%dma_start3A_67] : memref<1536xi32, #tpu.memory_space<vmem>> -> memref<128xi32, #tpu.memory_space<vmem>>
    %dma_start3A_69 = arith.constant 1000000 : i32
    %dma_start3A_70 = tpu.memref_slice %arg3[%dma_start3A_69] : memref<2000000xf32, #tpu.memory_space<hbm>> -> memref<1000000xf32, #tpu.memory_space<hbm>>
    %dma_start3A_71 = arith.constant 0 : i32
    %dma_start3A_72 = tpu.memref_slice %dma_start3A_70[%dma_start3A_71] : memref<1000000xf32, #tpu.memory_space<hbm>> -> memref<1000000xf32, #tpu.memory_space<hbm>>
    tpu.enqueue_indirect_dma source(%dma_start3A_72 : memref<1000000xf32, #tpu.memory_space<hbm>>) target(%dma_start3A_66 : memref<128xf32, #tpu.memory_space<vmem>>) offsets(%dma_start3A_68 : memref<128xi32, #tpu.memory_space<vmem>>) semaphore(%arg7 : memref<!tpu.dma_semaphore, #tpu.memory_space<semaphore_mem>>)
    %dma_start3A_73 = arith.constant 384 : i32
    %dma_start3A_74 = tpu.memref_slice %arg6[%dma_start3A_73] : memref<3072xf32, #tpu.memory_space<vmem>> -> memref<128xf32, #tpu.memory_space<vmem>>
    %dma_start3A_75 = arith.constant 384 : i32
    %dma_start3A_76 = tpu.memref_slice %arg5[%dma_start3A_75] : memref<1536xi32, #tpu.memory_space<vmem>> -> memref<128xi32, #tpu.memory_space<vmem>>
    %dma_start3A_77 = arith.constant 0 : i32
    %dma_start3A_78 = tpu.memref_slice %arg3[%dma_start3A_77] : memref<2000000xf32, #tpu.memory_space<hbm>> -> memref<2000000xf32, #tpu.memory_space<hbm>>
    tpu.enqueue_indirect_dma source(%dma_start3A_78 : memref<2000000xf32, #tpu.memory_space<hbm>>) target(%dma_start3A_74 : memref<128xf32, #tpu.memory_space<vmem>>) offsets(%dma_start3A_76 : memref<128xi32, #tpu.memory_space<vmem>>) semaphore(%arg7 : memref<!tpu.dma_semaphore, #tpu.memory_space<semaphore_mem>>)
    %dma_start3A_79 = arith.constant 896 : i32
    %dma_start3A_80 = tpu.memref_slice %arg6[%dma_start3A_79] : memref<3072xf32, #tpu.memory_space<vmem>> -> memref<128xf32, #tpu.memory_space<vmem>>
    %dma_start3A_81 = arith.constant 384 : i32
    %dma_start3A_82 = tpu.memref_slice %arg5[%dma_start3A_81] : memref<1536xi32, #tpu.memory_space<vmem>> -> memref<128xi32, #tpu.memory_space<vmem>>
    %dma_start3A_83 = arith.constant 1000000 : i32
    %dma_start3A_84 = tpu.memref_slice %arg3[%dma_start3A_83] : memref<2000000xf32, #tpu.memory_space<hbm>> -> memref<1000000xf32, #tpu.memory_space<hbm>>
    %dma_start3A_85 = arith.constant 0 : i32
    %dma_start3A_86 = tpu.memref_slice %dma_start3A_84[%dma_start3A_85] : memref<1000000xf32, #tpu.memory_space<hbm>> -> memref<1000000xf32, #tpu.memory_space<hbm>>
    tpu.enqueue_indirect_dma source(%dma_start3A_86 : memref<1000000xf32, #tpu.memory_space<hbm>>) target(%dma_start3A_80 : memref<128xf32, #tpu.memory_space<vmem>>) offsets(%dma_start3A_82 : memref<128xi32, #tpu.memory_space<vmem>>) semaphore(%arg7 : memref<!tpu.dma_semaphore, #tpu.memory_space<semaphore_mem>>)
    %dma_wait3A_87 = arith.constant 512 : i32
    %dma_wait3A_88 = tpu.memref_slice %arg5[%dma_wait3A_87] : memref<1536xi32, #tpu.memory_space<vmem>> -> memref<512xi32, #tpu.memory_space<vmem>>
    %dma_wait3A_89 = tpu.memref_slice %arg2[%add3A_11] : memref<49152xi32, #tpu.memory_space<hbm>> -> memref<512xi32, #tpu.memory_space<hbm>>
    %dma_wait3A_90 = arith.constant 512 : i32
    %dma_wait3A_91 = tpu.memref_slice %arg5[%dma_wait3A_90] : memref<1536xi32, #tpu.memory_space<vmem>> -> memref<512xi32, #tpu.memory_space<vmem>>
    %dma_wait3A_92 = tpu.memref_slice %arg2[%add3A_11] : memref<49152xi32, #tpu.memory_space<hbm>> -> memref<512xi32, #tpu.memory_space<hbm>>
    tpu.wait_dma2 semaphore(%arg8 : memref<!tpu.dma_semaphore, #tpu.memory_space<semaphore_mem>>) src(%dma_wait3A_92 : memref<512xi32, #tpu.memory_space<hbm>>) dst(%dma_wait3A_91 : memref<512xi32, #tpu.memory_space<vmem>>)
    %dma_start3A_93 = arith.constant 1024 : i32
    %dma_start3A_94 = tpu.memref_slice %arg6[%dma_start3A_93] : memref<3072xf32, #tpu.memory_space<vmem>> -> memref<128xf32, #tpu.memory_space<vmem>>
    %dma_start3A_95 = arith.constant 512 : i32
    %dma_start3A_96 = tpu.memref_slice %arg5[%dma_start3A_95] : memref<1536xi32, #tpu.memory_space<vmem>> -> memref<128xi32, #tpu.memory_space<vmem>>
    %dma_start3A_97 = arith.constant 0 : i32
    %dma_start3A_98 = tpu.memref_slice %arg3[%dma_start3A_97] : memref<2000000xf32, #tpu.memory_space<hbm>> -> memref<2000000xf32, #tpu.memory_space<hbm>>
    tpu.enqueue_indirect_dma source(%dma_start3A_98 : memref<2000000xf32, #tpu.memory_space<hbm>>) target(%dma_start3A_94 : memref<128xf32, #tpu.memory_space<vmem>>) offsets(%dma_start3A_96 : memref<128xi32, #tpu.memory_space<vmem>>) semaphore(%arg7 : memref<!tpu.dma_semaphore, #tpu.memory_space<semaphore_mem>>)
    %dma_start3A_99 = arith.constant 1536 : i32
    %dma_start3A_100 = tpu.memref_slice %arg6[%dma_start3A_99] : memref<3072xf32, #tpu.memory_space<vmem>> -> memref<128xf32, #tpu.memory_space<vmem>>
    %dma_start3A_101 = arith.constant 512 : i32
    %dma_start3A_102 = tpu.memref_slice %arg5[%dma_start3A_101] : memref<1536xi32, #tpu.memory_space<vmem>> -> memref<128xi32, #tpu.memory_space<vmem>>
    %dma_start3A_103 = arith.constant 1000000 : i32
    %dma_start3A_104 = tpu.memref_slice %arg3[%dma_start3A_103] : memref<2000000xf32, #tpu.memory_space<hbm>> -> memref<1000000xf32, #tpu.memory_space<hbm>>
    %dma_start3A_105 = arith.constant 0 : i32
    %dma_start3A_106 = tpu.memref_slice %dma_start3A_104[%dma_start3A_105] : memref<1000000xf32, #tpu.memory_space<hbm>> -> memref<1000000xf32, #tpu.memory_space<hbm>>
    tpu.enqueue_indirect_dma source(%dma_start3A_106 : memref<1000000xf32, #tpu.memory_space<hbm>>) target(%dma_start3A_100 : memref<128xf32, #tpu.memory_space<vmem>>) offsets(%dma_start3A_102 : memref<128xi32, #tpu.memory_space<vmem>>) semaphore(%arg7 : memref<!tpu.dma_semaphore, #tpu.memory_space<semaphore_mem>>)
    %dma_start3A_107 = arith.constant 1152 : i32
    %dma_start3A_108 = tpu.memref_slice %arg6[%dma_start3A_107] : memref<3072xf32, #tpu.memory_space<vmem>> -> memref<128xf32, #tpu.memory_space<vmem>>
    %dma_start3A_109 = arith.constant 640 : i32
    %dma_start3A_110 = tpu.memref_slice %arg5[%dma_start3A_109] : memref<1536xi32, #tpu.memory_space<vmem>> -> memref<128xi32, #tpu.memory_space<vmem>>
    %dma_start3A_111 = arith.constant 0 : i32
    %dma_start3A_112 = tpu.memref_slice %arg3[%dma_start3A_111] : memref<2000000xf32, #tpu.memory_space<hbm>> -> memref<2000000xf32, #tpu.memory_space<hbm>>
    tpu.enqueue_indirect_dma source(%dma_start3A_112 : memref<2000000xf32, #tpu.memory_space<hbm>>) target(%dma_start3A_108 : memref<128xf32, #tpu.memory_space<vmem>>) offsets(%dma_start3A_110 : memref<128xi32, #tpu.memory_space<vmem>>) semaphore(%arg7 : memref<!tpu.dma_semaphore, #tpu.memory_space<semaphore_mem>>)
    %dma_start3A_113 = arith.constant 1664 : i32
    %dma_start3A_114 = tpu.memref_slice %arg6[%dma_start3A_113] : memref<3072xf32, #tpu.memory_space<vmem>> -> memref<128xf32, #tpu.memory_space<vmem>>
    %dma_start3A_115 = arith.constant 640 : i32
    %dma_start3A_116 = tpu.memref_slice %arg5[%dma_start3A_115] : memref<1536xi32, #tpu.memory_space<vmem>> -> memref<128xi32, #tpu.memory_space<vmem>>
    %dma_start3A_117 = arith.constant 1000000 : i32
    %dma_start3A_118 = tpu.memref_slice %arg3[%dma_start3A_117] : memref<2000000xf32, #tpu.memory_space<hbm>> -> memref<1000000xf32, #tpu.memory_space<hbm>>
    %dma_start3A_119 = arith.constant 0 : i32
    %dma_start3A_120 = tpu.memref_slice %dma_start3A_118[%dma_start3A_119] : memref<1000000xf32, #tpu.memory_space<hbm>> -> memref<1000000xf32, #tpu.memory_space<hbm>>
    tpu.enqueue_indirect_dma source(%dma_start3A_120 : memref<1000000xf32, #tpu.memory_space<hbm>>) target(%dma_start3A_114 : memref<128xf32, #tpu.memory_space<vmem>>) offsets(%dma_start3A_116 : memref<128xi32, #tpu.memory_space<vmem>>) semaphore(%arg7 : memref<!tpu.dma_semaphore, #tpu.memory_space<semaphore_mem>>)
    %dma_start3A_121 = arith.constant 1280 : i32
    %dma_start3A_122 = tpu.memref_slice %arg6[%dma_start3A_121] : memref<3072xf32, #tpu.memory_space<vmem>> -> memref<128xf32, #tpu.memory_space<vmem>>
    %dma_start3A_123 = arith.constant 768 : i32
    %dma_start3A_124 = tpu.memref_slice %arg5[%dma_start3A_123] : memref<1536xi32, #tpu.memory_space<vmem>> -> memref<128xi32, #tpu.memory_space<vmem>>
    %dma_start3A_125 = arith.constant 0 : i32
    %dma_start3A_126 = tpu.memref_slice %arg3[%dma_start3A_125] : memref<2000000xf32, #tpu.memory_space<hbm>> -> memref<2000000xf32, #tpu.memory_space<hbm>>
    tpu.enqueue_indirect_dma source(%dma_start3A_126 : memref<2000000xf32, #tpu.memory_space<hbm>>) target(%dma_start3A_122 : memref<128xf32, #tpu.memory_space<vmem>>) offsets(%dma_start3A_124 : memref<128xi32, #tpu.memory_space<vmem>>) semaphore(%arg7 : memref<!tpu.dma_semaphore, #tpu.memory_space<semaphore_mem>>)
    %dma_start3A_127 = arith.constant 1792 : i32
    %dma_start3A_128 = tpu.memref_slice %arg6[%dma_start3A_127] : memref<3072xf32, #tpu.memory_space<vmem>> -> memref<128xf32, #tpu.memory_space<vmem>>
    %dma_start3A_129 = arith.constant 768 : i32
    %dma_start3A_130 = tpu.memref_slice %arg5[%dma_start3A_129] : memref<1536xi32, #tpu.memory_space<vmem>> -> memref<128xi32, #tpu.memory_space<vmem>>
    %dma_start3A_131 = arith.constant 1000000 : i32
    %dma_start3A_132 = tpu.memref_slice %arg3[%dma_start3A_131] : memref<2000000xf32, #tpu.memory_space<hbm>> -> memref<1000000xf32, #tpu.memory_space<hbm>>
    %dma_start3A_133 = arith.constant 0 : i32
    %dma_start3A_134 = tpu.memref_slice %dma_start3A_132[%dma_start3A_133] : memref<1000000xf32, #tpu.memory_space<hbm>> -> memref<1000000xf32, #tpu.memory_space<hbm>>
    tpu.enqueue_indirect_dma source(%dma_start3A_134 : memref<1000000xf32, #tpu.memory_space<hbm>>) target(%dma_start3A_128 : memref<128xf32, #tpu.memory_space<vmem>>) offsets(%dma_start3A_130 : memref<128xi32, #tpu.memory_space<vmem>>) semaphore(%arg7 : memref<!tpu.dma_semaphore, #tpu.memory_space<semaphore_mem>>)
    %dma_start3A_135 = arith.constant 1408 : i32
    %dma_start3A_136 = tpu.memref_slice %arg6[%dma_start3A_135] : memref<3072xf32, #tpu.memory_space<vmem>> -> memref<128xf32, #tpu.memory_space<vmem>>
    %dma_start3A_137 = arith.constant 896 : i32
    %dma_start3A_138 = tpu.memref_slice %arg5[%dma_start3A_137] : memref<1536xi32, #tpu.memory_space<vmem>> -> memref<128xi32, #tpu.memory_space<vmem>>
    %dma_start3A_139 = arith.constant 0 : i32
    %dma_start3A_140 = tpu.memref_slice %arg3[%dma_start3A_139] : memref<2000000xf32, #tpu.memory_space<hbm>> -> memref<2000000xf32, #tpu.memory_space<hbm>>
    tpu.enqueue_indirect_dma source(%dma_start3A_140 : memref<2000000xf32, #tpu.memory_space<hbm>>) target(%dma_start3A_136 : memref<128xf32, #tpu.memory_space<vmem>>) offsets(%dma_start3A_138 : memref<128xi32, #tpu.memory_space<vmem>>) semaphore(%arg7 : memref<!tpu.dma_semaphore, #tpu.memory_space<semaphore_mem>>)
    %dma_start3A_141 = arith.constant 1920 : i32
    %dma_start3A_142 = tpu.memref_slice %arg6[%dma_start3A_141] : memref<3072xf32, #tpu.memory_space<vmem>> -> memref<128xf32, #tpu.memory_space<vmem>>
    %dma_start3A_143 = arith.constant 896 : i32
    %dma_start3A_144 = tpu.memref_slice %arg5[%dma_start3A_143] : memref<1536xi32, #tpu.memory_space<vmem>> -> memref<128xi32, #tpu.memory_space<vmem>>
    %dma_start3A_145 = arith.constant 1000000 : i32
    %dma_start3A_146 = tpu.memref_slice %arg3[%dma_start3A_145] : memref<2000000xf32, #tpu.memory_space<hbm>> -> memref<1000000xf32, #tpu.memory_space<hbm>>
    %dma_start3A_147 = arith.constant 0 : i32
    %dma_start3A_148 = tpu.memref_slice %dma_start3A_146[%dma_start3A_147] : memref<1000000xf32, #tpu.memory_space<hbm>> -> memref<1000000xf32, #tpu.memory_space<hbm>>
    tpu.enqueue_indirect_dma source(%dma_start3A_148 : memref<1000000xf32, #tpu.memory_space<hbm>>) target(%dma_start3A_142 : memref<128xf32, #tpu.memory_space<vmem>>) offsets(%dma_start3A_144 : memref<128xi32, #tpu.memory_space<vmem>>) semaphore(%arg7 : memref<!tpu.dma_semaphore, #tpu.memory_space<semaphore_mem>>)
    %dma_wait3A_149 = arith.constant 1024 : i32
    %dma_wait3A_150 = tpu.memref_slice %arg5[%dma_wait3A_149] : memref<1536xi32, #tpu.memory_space<vmem>> -> memref<512xi32, #tpu.memory_space<vmem>>
    %dma_wait3A_151 = tpu.memref_slice %arg2[%add3A_19] : memref<49152xi32, #tpu.memory_space<hbm>> -> memref<512xi32, #tpu.memory_space<hbm>>
    %dma_wait3A_152 = arith.constant 1024 : i32
    %dma_wait3A_153 = tpu.memref_slice %arg5[%dma_wait3A_152] : memref<1536xi32, #tpu.memory_space<vmem>> -> memref<512xi32, #tpu.memory_space<vmem>>
    %dma_wait3A_154 = tpu.memref_slice %arg2[%add3A_19] : memref<49152xi32, #tpu.memory_space<hbm>> -> memref<512xi32, #tpu.memory_space<hbm>>
    tpu.wait_dma2 semaphore(%arg8 : memref<!tpu.dma_semaphore, #tpu.memory_space<semaphore_mem>>) src(%dma_wait3A_154 : memref<512xi32, #tpu.memory_space<hbm>>) dst(%dma_wait3A_153 : memref<512xi32, #tpu.memory_space<vmem>>)
    %dma_start3A_155 = arith.constant 2048 : i32
    %dma_start3A_156 = tpu.memref_slice %arg6[%dma_start3A_155] : memref<3072xf32, #tpu.memory_space<vmem>> -> memref<128xf32, #tpu.memory_space<vmem>>
    %dma_start3A_157 = arith.constant 1024 : i32
    %dma_start3A_158 = tpu.memref_slice %arg5[%dma_start3A_157] : memref<1536xi32, #tpu.memory_space<vmem>> -> memref<128xi32, #tpu.memory_space<vmem>>
    %dma_start3A_159 = arith.constant 0 : i32
    %dma_start3A_160 = tpu.memref_slice %arg3[%dma_start3A_159] : memref<2000000xf32, #tpu.memory_space<hbm>> -> memref<2000000xf32, #tpu.memory_space<hbm>>
    tpu.enqueue_indirect_dma source(%dma_start3A_160 : memref<2000000xf32, #tpu.memory_space<hbm>>) target(%dma_start3A_156 : memref<128xf32, #tpu.memory_space<vmem>>) offsets(%dma_start3A_158 : memref<128xi32, #tpu.memory_space<vmem>>) semaphore(%arg7 : memref<!tpu.dma_semaphore, #tpu.memory_space<semaphore_mem>>)
    %dma_start3A_161 = arith.constant 2560 : i32
    %dma_start3A_162 = tpu.memref_slice %arg6[%dma_start3A_161] : memref<3072xf32, #tpu.memory_space<vmem>> -> memref<128xf32, #tpu.memory_space<vmem>>
    %dma_start3A_163 = arith.constant 1024 : i32
    %dma_start3A_164 = tpu.memref_slice %arg5[%dma_start3A_163] : memref<1536xi32, #tpu.memory_space<vmem>> -> memref<128xi32, #tpu.memory_space<vmem>>
    %dma_start3A_165 = arith.constant 1000000 : i32
    %dma_start3A_166 = tpu.memref_slice %arg3[%dma_start3A_165] : memref<2000000xf32, #tpu.memory_space<hbm>> -> memref<1000000xf32, #tpu.memory_space<hbm>>
    %dma_start3A_167 = arith.constant 0 : i32
    %dma_start3A_168 = tpu.memref_slice %dma_start3A_166[%dma_start3A_167] : memref<1000000xf32, #tpu.memory_space<hbm>> -> memref<1000000xf32, #tpu.memory_space<hbm>>
    tpu.enqueue_indirect_dma source(%dma_start3A_168 : memref<1000000xf32, #tpu.memory_space<hbm>>) target(%dma_start3A_162 : memref<128xf32, #tpu.memory_space<vmem>>) offsets(%dma_start3A_164 : memref<128xi32, #tpu.memory_space<vmem>>) semaphore(%arg7 : memref<!tpu.dma_semaphore, #tpu.memory_space<semaphore_mem>>)
    %dma_start3A_169 = arith.constant 2176 : i32
    %dma_start3A_170 = tpu.memref_slice %arg6[%dma_start3A_169] : memref<3072xf32, #tpu.memory_space<vmem>> -> memref<128xf32, #tpu.memory_space<vmem>>
    %dma_start3A_171 = arith.constant 1152 : i32
    %dma_start3A_172 = tpu.memref_slice %arg5[%dma_start3A_171] : memref<1536xi32, #tpu.memory_space<vmem>> -> memref<128xi32, #tpu.memory_space<vmem>>
    %dma_start3A_173 = arith.constant 0 : i32
    %dma_start3A_174 = tpu.memref_slice %arg3[%dma_start3A_173] : memref<2000000xf32, #tpu.memory_space<hbm>> -> memref<2000000xf32, #tpu.memory_space<hbm>>
    tpu.enqueue_indirect_dma source(%dma_start3A_174 : memref<2000000xf32, #tpu.memory_space<hbm>>) target(%dma_start3A_170 : memref<128xf32, #tpu.memory_space<vmem>>) offsets(%dma_start3A_172 : memref<128xi32, #tpu.memory_space<vmem>>) semaphore(%arg7 : memref<!tpu.dma_semaphore, #tpu.memory_space<semaphore_mem>>)
    %dma_start3A_175 = arith.constant 2688 : i32
    %dma_start3A_176 = tpu.memref_slice %arg6[%dma_start3A_175] : memref<3072xf32, #tpu.memory_space<vmem>> -> memref<128xf32, #tpu.memory_space<vmem>>
    %dma_start3A_177 = arith.constant 1152 : i32
    %dma_start3A_178 = tpu.memref_slice %arg5[%dma_start3A_177] : memref<1536xi32, #tpu.memory_space<vmem>> -> memref<128xi32, #tpu.memory_space<vmem>>
    %dma_start3A_179 = arith.constant 1000000 : i32
    %dma_start3A_180 = tpu.memref_slice %arg3[%dma_start3A_179] : memref<2000000xf32, #tpu.memory_space<hbm>> -> memref<1000000xf32, #tpu.memory_space<hbm>>
    %dma_start3A_181 = arith.constant 0 : i32
    %dma_start3A_182 = tpu.memref_slice %dma_start3A_180[%dma_start3A_181] : memref<1000000xf32, #tpu.memory_space<hbm>> -> memref<1000000xf32, #tpu.memory_space<hbm>>
    tpu.enqueue_indirect_dma source(%dma_start3A_182 : memref<1000000xf32, #tpu.memory_space<hbm>>) target(%dma_start3A_176 : memref<128xf32, #tpu.memory_space<vmem>>) offsets(%dma_start3A_178 : memref<128xi32, #tpu.memory_space<vmem>>) semaphore(%arg7 : memref<!tpu.dma_semaphore, #tpu.memory_space<semaphore_mem>>)
    %dma_start3A_183 = arith.constant 2304 : i32
    %dma_start3A_184 = tpu.memref_slice %arg6[%dma_start3A_183] : memref<3072xf32, #tpu.memory_space<vmem>> -> memref<128xf32, #tpu.memory_space<vmem>>
    %dma_start3A_185 = arith.constant 1280 : i32
    %dma_start3A_186 = tpu.memref_slice %arg5[%dma_start3A_185] : memref<1536xi32, #tpu.memory_space<vmem>> -> memref<128xi32, #tpu.memory_space<vmem>>
    %dma_start3A_187 = arith.constant 0 : i32
    %dma_start3A_188 = tpu.memref_slice %arg3[%dma_start3A_187] : memref<2000000xf32, #tpu.memory_space<hbm>> -> memref<2000000xf32, #tpu.memory_space<hbm>>
    tpu.enqueue_indirect_dma source(%dma_start3A_188 : memref<2000000xf32, #tpu.memory_space<hbm>>) target(%dma_start3A_184 : memref<128xf32, #tpu.memory_space<vmem>>) offsets(%dma_start3A_186 : memref<128xi32, #tpu.memory_space<vmem>>) semaphore(%arg7 : memref<!tpu.dma_semaphore, #tpu.memory_space<semaphore_mem>>)
    %dma_start3A_189 = arith.constant 2816 : i32
    %dma_start3A_190 = tpu.memref_slice %arg6[%dma_start3A_189] : memref<3072xf32, #tpu.memory_space<vmem>> -> memref<128xf32, #tpu.memory_space<vmem>>
    %dma_start3A_191 = arith.constant 1280 : i32
    %dma_start3A_192 = tpu.memref_slice %arg5[%dma_start3A_191] : memref<1536xi32, #tpu.memory_space<vmem>> -> memref<128xi32, #tpu.memory_space<vmem>>
    %dma_start3A_193 = arith.constant 1000000 : i32
    %dma_start3A_194 = tpu.memref_slice %arg3[%dma_start3A_193] : memref<2000000xf32, #tpu.memory_space<hbm>> -> memref<1000000xf32, #tpu.memory_space<hbm>>
    %dma_start3A_195 = arith.constant 0 : i32
    %dma_start3A_196 = tpu.memref_slice %dma_start3A_194[%dma_start3A_195] : memref<1000000xf32, #tpu.memory_space<hbm>> -> memref<1000000xf32, #tpu.memory_space<hbm>>
    tpu.enqueue_indirect_dma source(%dma_start3A_196 : memref<1000000xf32, #tpu.memory_space<hbm>>) target(%dma_start3A_190 : memref<128xf32, #tpu.memory_space<vmem>>) offsets(%dma_start3A_192 : memref<128xi32, #tpu.memory_space<vmem>>) semaphore(%arg7 : memref<!tpu.dma_semaphore, #tpu.memory_space<semaphore_mem>>)
    %dma_start3A_197 = arith.constant 2432 : i32
    %dma_start3A_198 = tpu.memref_slice %arg6[%dma_start3A_197] : memref<3072xf32, #tpu.memory_space<vmem>> -> memref<128xf32, #tpu.memory_space<vmem>>
    %dma_start3A_199 = arith.constant 1408 : i32
    %dma_start3A_200 = tpu.memref_slice %arg5[%dma_start3A_199] : memref<1536xi32, #tpu.memory_space<vmem>> -> memref<128xi32, #tpu.memory_space<vmem>>
    %dma_start3A_201 = arith.constant 0 : i32
    %dma_start3A_202 = tpu.memref_slice %arg3[%dma_start3A_201] : memref<2000000xf32, #tpu.memory_space<hbm>> -> memref<2000000xf32, #tpu.memory_space<hbm>>
    tpu.enqueue_indirect_dma source(%dma_start3A_202 : memref<2000000xf32, #tpu.memory_space<hbm>>) target(%dma_start3A_198 : memref<128xf32, #tpu.memory_space<vmem>>) offsets(%dma_start3A_200 : memref<128xi32, #tpu.memory_space<vmem>>) semaphore(%arg7 : memref<!tpu.dma_semaphore, #tpu.memory_space<semaphore_mem>>)
    %dma_start3A_203 = arith.constant 2944 : i32
    %dma_start3A_204 = tpu.memref_slice %arg6[%dma_start3A_203] : memref<3072xf32, #tpu.memory_space<vmem>> -> memref<128xf32, #tpu.memory_space<vmem>>
    %dma_start3A_205 = arith.constant 1408 : i32
    %dma_start3A_206 = tpu.memref_slice %arg5[%dma_start3A_205] : memref<1536xi32, #tpu.memory_space<vmem>> -> memref<128xi32, #tpu.memory_space<vmem>>
    %dma_start3A_207 = arith.constant 1000000 : i32
    %dma_start3A_208 = tpu.memref_slice %arg3[%dma_start3A_207] : memref<2000000xf32, #tpu.memory_space<hbm>> -> memref<1000000xf32, #tpu.memory_space<hbm>>
    %dma_start3A_209 = arith.constant 0 : i32
    %dma_start3A_210 = tpu.memref_slice %dma_start3A_208[%dma_start3A_209] : memref<1000000xf32, #tpu.memory_space<hbm>> -> memref<1000000xf32, #tpu.memory_space<hbm>>
    tpu.enqueue_indirect_dma source(%dma_start3A_210 : memref<1000000xf32, #tpu.memory_space<hbm>>) target(%dma_start3A_204 : memref<128xf32, #tpu.memory_space<vmem>>) offsets(%dma_start3A_206 : memref<128xi32, #tpu.memory_space<vmem>>) semaphore(%arg7 : memref<!tpu.dma_semaphore, #tpu.memory_space<semaphore_mem>>)
    %dma_wait3A_211 = arith.constant 0 : i32
    %dma_wait3A_212 = tpu.memref_slice %arg6[%dma_wait3A_211] : memref<3072xf32, #tpu.memory_space<vmem>> -> memref<128xf32, #tpu.memory_space<vmem>>
    %dma_wait3A_213 = arith.constant 0 : i32
    %dma_wait3A_214 = tpu.memref_slice %arg5[%dma_wait3A_213] : memref<1536xi32, #tpu.memory_space<vmem>> -> memref<128xi32, #tpu.memory_space<vmem>>
    %dma_wait3A_215 = arith.constant 0 : i32
    %dma_wait3A_216 = tpu.memref_slice %arg3[%dma_wait3A_215] : memref<2000000xf32, #tpu.memory_space<hbm>> -> memref<2000000xf32, #tpu.memory_space<hbm>>
    tpu.wait_indirect_dma semaphore(%arg7 : memref<!tpu.dma_semaphore, #tpu.memory_space<semaphore_mem>>) src(%dma_wait3A_216 : memref<2000000xf32, #tpu.memory_space<hbm>>) dst(%dma_wait3A_212 : memref<128xf32, #tpu.memory_space<vmem>>)
    %dma_wait3A_217 = arith.constant 512 : i32
    %dma_wait3A_218 = tpu.memref_slice %arg6[%dma_wait3A_217] : memref<3072xf32, #tpu.memory_space<vmem>> -> memref<128xf32, #tpu.memory_space<vmem>>
    %dma_wait3A_219 = arith.constant 0 : i32
    %dma_wait3A_220 = tpu.memref_slice %arg5[%dma_wait3A_219] : memref<1536xi32, #tpu.memory_space<vmem>> -> memref<128xi32, #tpu.memory_space<vmem>>
    %dma_wait3A_221 = arith.constant 1000000 : i32
    %dma_wait3A_222 = tpu.memref_slice %arg3[%dma_wait3A_221] : memref<2000000xf32, #tpu.memory_space<hbm>> -> memref<1000000xf32, #tpu.memory_space<hbm>>
    %dma_wait3A_223 = arith.constant 0 : i32
    %dma_wait3A_224 = tpu.memref_slice %dma_wait3A_222[%dma_wait3A_223] : memref<1000000xf32, #tpu.memory_space<hbm>> -> memref<1000000xf32, #tpu.memory_space<hbm>>
    tpu.wait_indirect_dma semaphore(%arg7 : memref<!tpu.dma_semaphore, #tpu.memory_space<semaphore_mem>>) src(%dma_wait3A_224 : memref<1000000xf32, #tpu.memory_space<hbm>>) dst(%dma_wait3A_218 : memref<128xf32, #tpu.memory_space<vmem>>)
    %dma_wait3A_225 = arith.constant 128 : i32
    %dma_wait3A_226 = tpu.memref_slice %arg6[%dma_wait3A_225] : memref<3072xf32, #tpu.memory_space<vmem>> -> memref<128xf32, #tpu.memory_space<vmem>>
    %dma_wait3A_227 = arith.constant 128 : i32
    %dma_wait3A_228 = tpu.memref_slice %arg5[%dma_wait3A_227] : memref<1536xi32, #tpu.memory_space<vmem>> -> memref<128xi32, #tpu.memory_space<vmem>>
    %dma_wait3A_229 = arith.constant 0 : i32
    %dma_wait3A_230 = tpu.memref_slice %arg3[%dma_wait3A_229] : memref<2000000xf32, #tpu.memory_space<hbm>> -> memref<2000000xf32, #tpu.memory_space<hbm>>
    tpu.wait_indirect_dma semaphore(%arg7 : memref<!tpu.dma_semaphore, #tpu.memory_space<semaphore_mem>>) src(%dma_wait3A_230 : memref<2000000xf32, #tpu.memory_space<hbm>>) dst(%dma_wait3A_226 : memref<128xf32, #tpu.memory_space<vmem>>)
    %dma_wait3A_231 = arith.constant 640 : i32
    %dma_wait3A_232 = tpu.memref_slice %arg6[%dma_wait3A_231] : memref<3072xf32, #tpu.memory_space<vmem>> -> memref<128xf32, #tpu.memory_space<vmem>>
    %dma_wait3A_233 = arith.constant 128 : i32
    %dma_wait3A_234 = tpu.memref_slice %arg5[%dma_wait3A_233] : memref<1536xi32, #tpu.memory_space<vmem>> -> memref<128xi32, #tpu.memory_space<vmem>>
    %dma_wait3A_235 = arith.constant 1000000 : i32
    %dma_wait3A_236 = tpu.memref_slice %arg3[%dma_wait3A_235] : memref<2000000xf32, #tpu.memory_space<hbm>> -> memref<1000000xf32, #tpu.memory_space<hbm>>
    %dma_wait3A_237 = arith.constant 0 : i32
    %dma_wait3A_238 = tpu.memref_slice %dma_wait3A_236[%dma_wait3A_237] : memref<1000000xf32, #tpu.memory_space<hbm>> -> memref<1000000xf32, #tpu.memory_space<hbm>>
    tpu.wait_indirect_dma semaphore(%arg7 : memref<!tpu.dma_semaphore, #tpu.memory_space<semaphore_mem>>) src(%dma_wait3A_238 : memref<1000000xf32, #tpu.memory_space<hbm>>) dst(%dma_wait3A_232 : memref<128xf32, #tpu.memory_space<vmem>>)
    %dma_wait3A_239 = arith.constant 256 : i32
    %dma_wait3A_240 = tpu.memref_slice %arg6[%dma_wait3A_239] : memref<3072xf32, #tpu.memory_space<vmem>> -> memref<128xf32, #tpu.memory_space<vmem>>
    %dma_wait3A_241 = arith.constant 256 : i32
    %dma_wait3A_242 = tpu.memref_slice %arg5[%dma_wait3A_241] : memref<1536xi32, #tpu.memory_space<vmem>> -> memref<128xi32, #tpu.memory_space<vmem>>
    %dma_wait3A_243 = arith.constant 0 : i32
    %dma_wait3A_244 = tpu.memref_slice %arg3[%dma_wait3A_243] : memref<2000000xf32, #tpu.memory_space<hbm>> -> memref<2000000xf32, #tpu.memory_space<hbm>>
    tpu.wait_indirect_dma semaphore(%arg7 : memref<!tpu.dma_semaphore, #tpu.memory_space<semaphore_mem>>) src(%dma_wait3A_244 : memref<2000000xf32, #tpu.memory_space<hbm>>) dst(%dma_wait3A_240 : memref<128xf32, #tpu.memory_space<vmem>>)
    %dma_wait3A_245 = arith.constant 768 : i32
    %dma_wait3A_246 = tpu.memref_slice %arg6[%dma_wait3A_245] : memref<3072xf32, #tpu.memory_space<vmem>> -> memref<128xf32, #tpu.memory_space<vmem>>
    %dma_wait3A_247 = arith.constant 256 : i32
    %dma_wait3A_248 = tpu.memref_slice %arg5[%dma_wait3A_247] : memref<1536xi32, #tpu.memory_space<vmem>> -> memref<128xi32, #tpu.memory_space<vmem>>
    %dma_wait3A_249 = arith.constant 1000000 : i32
    %dma_wait3A_250 = tpu.memref_slice %arg3[%dma_wait3A_249] : memref<2000000xf32, #tpu.memory_space<hbm>> -> memref<1000000xf32, #tpu.memory_space<hbm>>
    %dma_wait3A_251 = arith.constant 0 : i32
    %dma_wait3A_252 = tpu.memref_slice %dma_wait3A_250[%dma_wait3A_251] : memref<1000000xf32, #tpu.memory_space<hbm>> -> memref<1000000xf32, #tpu.memory_space<hbm>>
    tpu.wait_indirect_dma semaphore(%arg7 : memref<!tpu.dma_semaphore, #tpu.memory_space<semaphore_mem>>) src(%dma_wait3A_252 : memref<1000000xf32, #tpu.memory_space<hbm>>) dst(%dma_wait3A_246 : memref<128xf32, #tpu.memory_space<vmem>>)
    %dma_wait3A_253 = arith.constant 384 : i32
    %dma_wait3A_254 = tpu.memref_slice %arg6[%dma_wait3A_253] : memref<3072xf32, #tpu.memory_space<vmem>> -> memref<128xf32, #tpu.memory_space<vmem>>
    %dma_wait3A_255 = arith.constant 384 : i32
    %dma_wait3A_256 = tpu.memref_slice %arg5[%dma_wait3A_255] : memref<1536xi32, #tpu.memory_space<vmem>> -> memref<128xi32, #tpu.memory_space<vmem>>
    %dma_wait3A_257 = arith.constant 0 : i32
    %dma_wait3A_258 = tpu.memref_slice %arg3[%dma_wait3A_257] : memref<2000000xf32, #tpu.memory_space<hbm>> -> memref<2000000xf32, #tpu.memory_space<hbm>>
    tpu.wait_indirect_dma semaphore(%arg7 : memref<!tpu.dma_semaphore, #tpu.memory_space<semaphore_mem>>) src(%dma_wait3A_258 : memref<2000000xf32, #tpu.memory_space<hbm>>) dst(%dma_wait3A_254 : memref<128xf32, #tpu.memory_space<vmem>>)
    %dma_wait3A_259 = arith.constant 896 : i32
    %dma_wait3A_260 = tpu.memref_slice %arg6[%dma_wait3A_259] : memref<3072xf32, #tpu.memory_space<vmem>> -> memref<128xf32, #tpu.memory_space<vmem>>
    %dma_wait3A_261 = arith.constant 384 : i32
    %dma_wait3A_262 = tpu.memref_slice %arg5[%dma_wait3A_261] : memref<1536xi32, #tpu.memory_space<vmem>> -> memref<128xi32, #tpu.memory_space<vmem>>
    %dma_wait3A_263 = arith.constant 1000000 : i32
    %dma_wait3A_264 = tpu.memref_slice %arg3[%dma_wait3A_263] : memref<2000000xf32, #tpu.memory_space<hbm>> -> memref<1000000xf32, #tpu.memory_space<hbm>>
    %dma_wait3A_265 = arith.constant 0 : i32
    %dma_wait3A_266 = tpu.memref_slice %dma_wait3A_264[%dma_wait3A_265] : memref<1000000xf32, #tpu.memory_space<hbm>> -> memref<1000000xf32, #tpu.memory_space<hbm>>
    tpu.wait_indirect_dma semaphore(%arg7 : memref<!tpu.dma_semaphore, #tpu.memory_space<semaphore_mem>>) src(%dma_wait3A_266 : memref<1000000xf32, #tpu.memory_space<hbm>>) dst(%dma_wait3A_260 : memref<128xf32, #tpu.memory_space<vmem>>)
    %dma_wait3A_267 = arith.constant 1024 : i32
    %dma_wait3A_268 = tpu.memref_slice %arg6[%dma_wait3A_267] : memref<3072xf32, #tpu.memory_space<vmem>> -> memref<128xf32, #tpu.memory_space<vmem>>
    %dma_wait3A_269 = arith.constant 512 : i32
    %dma_wait3A_270 = tpu.memref_slice %arg5[%dma_wait3A_269] : memref<1536xi32, #tpu.memory_space<vmem>> -> memref<128xi32, #tpu.memory_space<vmem>>
    %dma_wait3A_271 = arith.constant 0 : i32
    %dma_wait3A_272 = tpu.memref_slice %arg3[%dma_wait3A_271] : memref<2000000xf32, #tpu.memory_space<hbm>> -> memref<2000000xf32, #tpu.memory_space<hbm>>
    tpu.wait_indirect_dma semaphore(%arg7 : memref<!tpu.dma_semaphore, #tpu.memory_space<semaphore_mem>>) src(%dma_wait3A_272 : memref<2000000xf32, #tpu.memory_space<hbm>>) dst(%dma_wait3A_268 : memref<128xf32, #tpu.memory_space<vmem>>)
    %dma_wait3A_273 = arith.constant 1536 : i32
    %dma_wait3A_274 = tpu.memref_slice %arg6[%dma_wait3A_273] : memref<3072xf32, #tpu.memory_space<vmem>> -> memref<128xf32, #tpu.memory_space<vmem>>
    %dma_wait3A_275 = arith.constant 512 : i32
    %dma_wait3A_276 = tpu.memref_slice %arg5[%dma_wait3A_275] : memref<1536xi32, #tpu.memory_space<vmem>> -> memref<128xi32, #tpu.memory_space<vmem>>
    %dma_wait3A_277 = arith.constant 1000000 : i32
    %dma_wait3A_278 = tpu.memref_slice %arg3[%dma_wait3A_277] : memref<2000000xf32, #tpu.memory_space<hbm>> -> memref<1000000xf32, #tpu.memory_space<hbm>>
    %dma_wait3A_279 = arith.constant 0 : i32
    %dma_wait3A_280 = tpu.memref_slice %dma_wait3A_278[%dma_wait3A_279] : memref<1000000xf32, #tpu.memory_space<hbm>> -> memref<1000000xf32, #tpu.memory_space<hbm>>
    tpu.wait_indirect_dma semaphore(%arg7 : memref<!tpu.dma_semaphore, #tpu.memory_space<semaphore_mem>>) src(%dma_wait3A_280 : memref<1000000xf32, #tpu.memory_space<hbm>>) dst(%dma_wait3A_274 : memref<128xf32, #tpu.memory_space<vmem>>)
    %dma_wait3A_281 = arith.constant 1152 : i32
    %dma_wait3A_282 = tpu.memref_slice %arg6[%dma_wait3A_281] : memref<3072xf32, #tpu.memory_space<vmem>> -> memref<128xf32, #tpu.memory_space<vmem>>
    %dma_wait3A_283 = arith.constant 640 : i32
    %dma_wait3A_284 = tpu.memref_slice %arg5[%dma_wait3A_283] : memref<1536xi32, #tpu.memory_space<vmem>> -> memref<128xi32, #tpu.memory_space<vmem>>
    %dma_wait3A_285 = arith.constant 0 : i32
    %dma_wait3A_286 = tpu.memref_slice %arg3[%dma_wait3A_285] : memref<2000000xf32, #tpu.memory_space<hbm>> -> memref<2000000xf32, #tpu.memory_space<hbm>>
    tpu.wait_indirect_dma semaphore(%arg7 : memref<!tpu.dma_semaphore, #tpu.memory_space<semaphore_mem>>) src(%dma_wait3A_286 : memref<2000000xf32, #tpu.memory_space<hbm>>) dst(%dma_wait3A_282 : memref<128xf32, #tpu.memory_space<vmem>>)
    %dma_wait3A_287 = arith.constant 1664 : i32
    %dma_wait3A_288 = tpu.memref_slice %arg6[%dma_wait3A_287] : memref<3072xf32, #tpu.memory_space<vmem>> -> memref<128xf32, #tpu.memory_space<vmem>>
    %dma_wait3A_289 = arith.constant 640 : i32
    %dma_wait3A_290 = tpu.memref_slice %arg5[%dma_wait3A_289] : memref<1536xi32, #tpu.memory_space<vmem>> -> memref<128xi32, #tpu.memory_space<vmem>>
    %dma_wait3A_291 = arith.constant 1000000 : i32
    %dma_wait3A_292 = tpu.memref_slice %arg3[%dma_wait3A_291] : memref<2000000xf32, #tpu.memory_space<hbm>> -> memref<1000000xf32, #tpu.memory_space<hbm>>
    %dma_wait3A_293 = arith.constant 0 : i32
    %dma_wait3A_294 = tpu.memref_slice %dma_wait3A_292[%dma_wait3A_293] : memref<1000000xf32, #tpu.memory_space<hbm>> -> memref<1000000xf32, #tpu.memory_space<hbm>>
    tpu.wait_indirect_dma semaphore(%arg7 : memref<!tpu.dma_semaphore, #tpu.memory_space<semaphore_mem>>) src(%dma_wait3A_294 : memref<1000000xf32, #tpu.memory_space<hbm>>) dst(%dma_wait3A_288 : memref<128xf32, #tpu.memory_space<vmem>>)
    %dma_wait3A_295 = arith.constant 1280 : i32
    %dma_wait3A_296 = tpu.memref_slice %arg6[%dma_wait3A_295] : memref<3072xf32, #tpu.memory_space<vmem>> -> memref<128xf32, #tpu.memory_space<vmem>>
    %dma_wait3A_297 = arith.constant 768 : i32
    %dma_wait3A_298 = tpu.memref_slice %arg5[%dma_wait3A_297] : memref<1536xi32, #tpu.memory_space<vmem>> -> memref<128xi32, #tpu.memory_space<vmem>>
    %dma_wait3A_299 = arith.constant 0 : i32
    %dma_wait3A_300 = tpu.memref_slice %arg3[%dma_wait3A_299] : memref<2000000xf32, #tpu.memory_space<hbm>> -> memref<2000000xf32, #tpu.memory_space<hbm>>
    tpu.wait_indirect_dma semaphore(%arg7 : memref<!tpu.dma_semaphore, #tpu.memory_space<semaphore_mem>>) src(%dma_wait3A_300 : memref<2000000xf32, #tpu.memory_space<hbm>>) dst(%dma_wait3A_296 : memref<128xf32, #tpu.memory_space<vmem>>)
    %dma_wait3A_301 = arith.constant 1792 : i32
    %dma_wait3A_302 = tpu.memref_slice %arg6[%dma_wait3A_301] : memref<3072xf32, #tpu.memory_space<vmem>> -> memref<128xf32, #tpu.memory_space<vmem>>
    %dma_wait3A_303 = arith.constant 768 : i32
    %dma_wait3A_304 = tpu.memref_slice %arg5[%dma_wait3A_303] : memref<1536xi32, #tpu.memory_space<vmem>> -> memref<128xi32, #tpu.memory_space<vmem>>
    %dma_wait3A_305 = arith.constant 1000000 : i32
    %dma_wait3A_306 = tpu.memref_slice %arg3[%dma_wait3A_305] : memref<2000000xf32, #tpu.memory_space<hbm>> -> memref<1000000xf32, #tpu.memory_space<hbm>>
    %dma_wait3A_307 = arith.constant 0 : i32
    %dma_wait3A_308 = tpu.memref_slice %dma_wait3A_306[%dma_wait3A_307] : memref<1000000xf32, #tpu.memory_space<hbm>> -> memref<1000000xf32, #tpu.memory_space<hbm>>
    tpu.wait_indirect_dma semaphore(%arg7 : memref<!tpu.dma_semaphore, #tpu.memory_space<semaphore_mem>>) src(%dma_wait3A_308 : memref<1000000xf32, #tpu.memory_space<hbm>>) dst(%dma_wait3A_302 : memref<128xf32, #tpu.memory_space<vmem>>)
    %dma_wait3A_309 = arith.constant 1408 : i32
    %dma_wait3A_310 = tpu.memref_slice %arg6[%dma_wait3A_309] : memref<3072xf32, #tpu.memory_space<vmem>> -> memref<128xf32, #tpu.memory_space<vmem>>
    %dma_wait3A_311 = arith.constant 896 : i32
    %dma_wait3A_312 = tpu.memref_slice %arg5[%dma_wait3A_311] : memref<1536xi32, #tpu.memory_space<vmem>> -> memref<128xi32, #tpu.memory_space<vmem>>
    %dma_wait3A_313 = arith.constant 0 : i32
    %dma_wait3A_314 = tpu.memref_slice %arg3[%dma_wait3A_313] : memref<2000000xf32, #tpu.memory_space<hbm>> -> memref<2000000xf32, #tpu.memory_space<hbm>>
    tpu.wait_indirect_dma semaphore(%arg7 : memref<!tpu.dma_semaphore, #tpu.memory_space<semaphore_mem>>) src(%dma_wait3A_314 : memref<2000000xf32, #tpu.memory_space<hbm>>) dst(%dma_wait3A_310 : memref<128xf32, #tpu.memory_space<vmem>>)
    %dma_wait3A_315 = arith.constant 1920 : i32
    %dma_wait3A_316 = tpu.memref_slice %arg6[%dma_wait3A_315] : memref<3072xf32, #tpu.memory_space<vmem>> -> memref<128xf32, #tpu.memory_space<vmem>>
    %dma_wait3A_317 = arith.constant 896 : i32
    %dma_wait3A_318 = tpu.memref_slice %arg5[%dma_wait3A_317] : memref<1536xi32, #tpu.memory_space<vmem>> -> memref<128xi32, #tpu.memory_space<vmem>>
    %dma_wait3A_319 = arith.constant 1000000 : i32
    %dma_wait3A_320 = tpu.memref_slice %arg3[%dma_wait3A_319] : memref<2000000xf32, #tpu.memory_space<hbm>> -> memref<1000000xf32, #tpu.memory_space<hbm>>
    %dma_wait3A_321 = arith.constant 0 : i32
    %dma_wait3A_322 = tpu.memref_slice %dma_wait3A_320[%dma_wait3A_321] : memref<1000000xf32, #tpu.memory_space<hbm>> -> memref<1000000xf32, #tpu.memory_space<hbm>>
    tpu.wait_indirect_dma semaphore(%arg7 : memref<!tpu.dma_semaphore, #tpu.memory_space<semaphore_mem>>) src(%dma_wait3A_322 : memref<1000000xf32, #tpu.memory_space<hbm>>) dst(%dma_wait3A_316 : memref<128xf32, #tpu.memory_space<vmem>>)
    %dma_wait3A_323 = arith.constant 2048 : i32
    %dma_wait3A_324 = tpu.memref_slice %arg6[%dma_wait3A_323] : memref<3072xf32, #tpu.memory_space<vmem>> -> memref<128xf32, #tpu.memory_space<vmem>>
    %dma_wait3A_325 = arith.constant 1024 : i32
    %dma_wait3A_326 = tpu.memref_slice %arg5[%dma_wait3A_325] : memref<1536xi32, #tpu.memory_space<vmem>> -> memref<128xi32, #tpu.memory_space<vmem>>
    %dma_wait3A_327 = arith.constant 0 : i32
    %dma_wait3A_328 = tpu.memref_slice %arg3[%dma_wait3A_327] : memref<2000000xf32, #tpu.memory_space<hbm>> -> memref<2000000xf32, #tpu.memory_space<hbm>>
    tpu.wait_indirect_dma semaphore(%arg7 : memref<!tpu.dma_semaphore, #tpu.memory_space<semaphore_mem>>) src(%dma_wait3A_328 : memref<2000000xf32, #tpu.memory_space<hbm>>) dst(%dma_wait3A_324 : memref<128xf32, #tpu.memory_space<vmem>>)
    %dma_wait3A_329 = arith.constant 2560 : i32
    %dma_wait3A_330 = tpu.memref_slice %arg6[%dma_wait3A_329] : memref<3072xf32, #tpu.memory_space<vmem>> -> memref<128xf32, #tpu.memory_space<vmem>>
    %dma_wait3A_331 = arith.constant 1024 : i32
    %dma_wait3A_332 = tpu.memref_slice %arg5[%dma_wait3A_331] : memref<1536xi32, #tpu.memory_space<vmem>> -> memref<128xi32, #tpu.memory_space<vmem>>
    %dma_wait3A_333 = arith.constant 1000000 : i32
    %dma_wait3A_334 = tpu.memref_slice %arg3[%dma_wait3A_333] : memref<2000000xf32, #tpu.memory_space<hbm>> -> memref<1000000xf32, #tpu.memory_space<hbm>>
    %dma_wait3A_335 = arith.constant 0 : i32
    %dma_wait3A_336 = tpu.memref_slice %dma_wait3A_334[%dma_wait3A_335] : memref<1000000xf32, #tpu.memory_space<hbm>> -> memref<1000000xf32, #tpu.memory_space<hbm>>
    tpu.wait_indirect_dma semaphore(%arg7 : memref<!tpu.dma_semaphore, #tpu.memory_space<semaphore_mem>>) src(%dma_wait3A_336 : memref<1000000xf32, #tpu.memory_space<hbm>>) dst(%dma_wait3A_330 : memref<128xf32, #tpu.memory_space<vmem>>)
    %dma_wait3A_337 = arith.constant 2176 : i32
    %dma_wait3A_338 = tpu.memref_slice %arg6[%dma_wait3A_337] : memref<3072xf32, #tpu.memory_space<vmem>> -> memref<128xf32, #tpu.memory_space<vmem>>
    %dma_wait3A_339 = arith.constant 1152 : i32
    %dma_wait3A_340 = tpu.memref_slice %arg5[%dma_wait3A_339] : memref<1536xi32, #tpu.memory_space<vmem>> -> memref<128xi32, #tpu.memory_space<vmem>>
    %dma_wait3A_341 = arith.constant 0 : i32
    %dma_wait3A_342 = tpu.memref_slice %arg3[%dma_wait3A_341] : memref<2000000xf32, #tpu.memory_space<hbm>> -> memref<2000000xf32, #tpu.memory_space<hbm>>
    tpu.wait_indirect_dma semaphore(%arg7 : memref<!tpu.dma_semaphore, #tpu.memory_space<semaphore_mem>>) src(%dma_wait3A_342 : memref<2000000xf32, #tpu.memory_space<hbm>>) dst(%dma_wait3A_338 : memref<128xf32, #tpu.memory_space<vmem>>)
    %dma_wait3A_343 = arith.constant 2688 : i32
    %dma_wait3A_344 = tpu.memref_slice %arg6[%dma_wait3A_343] : memref<3072xf32, #tpu.memory_space<vmem>> -> memref<128xf32, #tpu.memory_space<vmem>>
    %dma_wait3A_345 = arith.constant 1152 : i32
    %dma_wait3A_346 = tpu.memref_slice %arg5[%dma_wait3A_345] : memref<1536xi32, #tpu.memory_space<vmem>> -> memref<128xi32, #tpu.memory_space<vmem>>
    %dma_wait3A_347 = arith.constant 1000000 : i32
    %dma_wait3A_348 = tpu.memref_slice %arg3[%dma_wait3A_347] : memref<2000000xf32, #tpu.memory_space<hbm>> -> memref<1000000xf32, #tpu.memory_space<hbm>>
    %dma_wait3A_349 = arith.constant 0 : i32
    %dma_wait3A_350 = tpu.memref_slice %dma_wait3A_348[%dma_wait3A_349] : memref<1000000xf32, #tpu.memory_space<hbm>> -> memref<1000000xf32, #tpu.memory_space<hbm>>
    tpu.wait_indirect_dma semaphore(%arg7 : memref<!tpu.dma_semaphore, #tpu.memory_space<semaphore_mem>>) src(%dma_wait3A_350 : memref<1000000xf32, #tpu.memory_space<hbm>>) dst(%dma_wait3A_344 : memref<128xf32, #tpu.memory_space<vmem>>)
    %dma_wait3A_351 = arith.constant 2304 : i32
    %dma_wait3A_352 = tpu.memref_slice %arg6[%dma_wait3A_351] : memref<3072xf32, #tpu.memory_space<vmem>> -> memref<128xf32, #tpu.memory_space<vmem>>
    %dma_wait3A_353 = arith.constant 1280 : i32
    %dma_wait3A_354 = tpu.memref_slice %arg5[%dma_wait3A_353] : memref<1536xi32, #tpu.memory_space<vmem>> -> memref<128xi32, #tpu.memory_space<vmem>>
    %dma_wait3A_355 = arith.constant 0 : i32
    %dma_wait3A_356 = tpu.memref_slice %arg3[%dma_wait3A_355] : memref<2000000xf32, #tpu.memory_space<hbm>> -> memref<2000000xf32, #tpu.memory_space<hbm>>
    tpu.wait_indirect_dma semaphore(%arg7 : memref<!tpu.dma_semaphore, #tpu.memory_space<semaphore_mem>>) src(%dma_wait3A_356 : memref<2000000xf32, #tpu.memory_space<hbm>>) dst(%dma_wait3A_352 : memref<128xf32, #tpu.memory_space<vmem>>)
    %dma_wait3A_357 = arith.constant 2816 : i32
    %dma_wait3A_358 = tpu.memref_slice %arg6[%dma_wait3A_357] : memref<3072xf32, #tpu.memory_space<vmem>> -> memref<128xf32, #tpu.memory_space<vmem>>
    %dma_wait3A_359 = arith.constant 1280 : i32
    %dma_wait3A_360 = tpu.memref_slice %arg5[%dma_wait3A_359] : memref<1536xi32, #tpu.memory_space<vmem>> -> memref<128xi32, #tpu.memory_space<vmem>>
    %dma_wait3A_361 = arith.constant 1000000 : i32
    %dma_wait3A_362 = tpu.memref_slice %arg3[%dma_wait3A_361] : memref<2000000xf32, #tpu.memory_space<hbm>> -> memref<1000000xf32, #tpu.memory_space<hbm>>
    %dma_wait3A_363 = arith.constant 0 : i32
    %dma_wait3A_364 = tpu.memref_slice %dma_wait3A_362[%dma_wait3A_363] : memref<1000000xf32, #tpu.memory_space<hbm>> -> memref<1000000xf32, #tpu.memory_space<hbm>>
    tpu.wait_indirect_dma semaphore(%arg7 : memref<!tpu.dma_semaphore, #tpu.memory_space<semaphore_mem>>) src(%dma_wait3A_364 : memref<1000000xf32, #tpu.memory_space<hbm>>) dst(%dma_wait3A_358 : memref<128xf32, #tpu.memory_space<vmem>>)
    %dma_wait3A_365 = arith.constant 2432 : i32
    %dma_wait3A_366 = tpu.memref_slice %arg6[%dma_wait3A_365] : memref<3072xf32, #tpu.memory_space<vmem>> -> memref<128xf32, #tpu.memory_space<vmem>>
    %dma_wait3A_367 = arith.constant 1408 : i32
    %dma_wait3A_368 = tpu.memref_slice %arg5[%dma_wait3A_367] : memref<1536xi32, #tpu.memory_space<vmem>> -> memref<128xi32, #tpu.memory_space<vmem>>
    %dma_wait3A_369 = arith.constant 0 : i32
    %dma_wait3A_370 = tpu.memref_slice %arg3[%dma_wait3A_369] : memref<2000000xf32, #tpu.memory_space<hbm>> -> memref<2000000xf32, #tpu.memory_space<hbm>>
    tpu.wait_indirect_dma semaphore(%arg7 : memref<!tpu.dma_semaphore, #tpu.memory_space<semaphore_mem>>) src(%dma_wait3A_370 : memref<2000000xf32, #tpu.memory_space<hbm>>) dst(%dma_wait3A_366 : memref<128xf32, #tpu.memory_space<vmem>>)
    %dma_wait3A_371 = arith.constant 2944 : i32
    %dma_wait3A_372 = tpu.memref_slice %arg6[%dma_wait3A_371] : memref<3072xf32, #tpu.memory_space<vmem>> -> memref<128xf32, #tpu.memory_space<vmem>>
    %dma_wait3A_373 = arith.constant 1408 : i32
    %dma_wait3A_374 = tpu.memref_slice %arg5[%dma_wait3A_373] : memref<1536xi32, #tpu.memory_space<vmem>> -> memref<128xi32, #tpu.memory_space<vmem>>
    %dma_wait3A_375 = arith.constant 1000000 : i32
    %dma_wait3A_376 = tpu.memref_slice %arg3[%dma_wait3A_375] : memref<2000000xf32, #tpu.memory_space<hbm>> -> memref<1000000xf32, #tpu.memory_space<hbm>>
    %dma_wait3A_377 = arith.constant 0 : i32
    %dma_wait3A_378 = tpu.memref_slice %dma_wait3A_376[%dma_wait3A_377] : memref<1000000xf32, #tpu.memory_space<hbm>> -> memref<1000000xf32, #tpu.memory_space<hbm>>
    tpu.wait_indirect_dma semaphore(%arg7 : memref<!tpu.dma_semaphore, #tpu.memory_space<semaphore_mem>>) src(%dma_wait3A_378 : memref<1000000xf32, #tpu.memory_space<hbm>>) dst(%dma_wait3A_372 : memref<128xf32, #tpu.memory_space<vmem>>)
    %add3A_379 = arith.constant 0 : i32
    %add3A_380 = arith.addi %add3A_379, %mul3A_2 : i32
    %dma_start3A_381 = arith.constant 0 : i32
    %dma_start3A_382 = tpu.memref_slice %arg6[%dma_start3A_381] : memref<3072xf32, #tpu.memory_space<vmem>> -> memref<512xf32, #tpu.memory_space<vmem>>
    %dma_start3A_383 = tpu.memref_slice %arg4[%add3A_380] : memref<98304xf32, #tpu.memory_space<hbm>> -> memref<512xf32, #tpu.memory_space<hbm>>
    %dma_start3A_384 = tpu.memref_slice %arg4[%add3A_380] : memref<98304xf32, #tpu.memory_space<hbm>> -> memref<512xf32, #tpu.memory_space<hbm>>
    %dma_start3A_385 = arith.constant 0 : i32
    %dma_start3A_386 = tpu.memref_slice %arg6[%dma_start3A_385] : memref<3072xf32, #tpu.memory_space<vmem>> -> memref<512xf32, #tpu.memory_space<vmem>>
    tpu.enqueue_dma source(%dma_start3A_386 : memref<512xf32, #tpu.memory_space<vmem>>) target(%dma_start3A_384 : memref<512xf32, #tpu.memory_space<hbm>>) target_semaphore(%arg7 : memref<!tpu.dma_semaphore, #tpu.memory_space<semaphore_mem>>)
    %add3A_387 = arith.constant 16384 : i32
    %add3A_388 = arith.addi %add3A_387, %mul3A_2 : i32
    %dma_start3A_389 = arith.constant 512 : i32
    %dma_start3A_390 = tpu.memref_slice %arg6[%dma_start3A_389] : memref<3072xf32, #tpu.memory_space<vmem>> -> memref<512xf32, #tpu.memory_space<vmem>>
    %dma_start3A_391 = tpu.memref_slice %arg4[%add3A_388] : memref<98304xf32, #tpu.memory_space<hbm>> -> memref<512xf32, #tpu.memory_space<hbm>>
    %dma_start3A_392 = tpu.memref_slice %arg4[%add3A_388] : memref<98304xf32, #tpu.memory_space<hbm>> -> memref<512xf32, #tpu.memory_space<hbm>>
    %dma_start3A_393 = arith.constant 512 : i32
    %dma_start3A_394 = tpu.memref_slice %arg6[%dma_start3A_393] : memref<3072xf32, #tpu.memory_space<vmem>> -> memref<512xf32, #tpu.memory_space<vmem>>
    tpu.enqueue_dma source(%dma_start3A_394 : memref<512xf32, #tpu.memory_space<vmem>>) target(%dma_start3A_392 : memref<512xf32, #tpu.memory_space<hbm>>) target_semaphore(%arg7 : memref<!tpu.dma_semaphore, #tpu.memory_space<semaphore_mem>>)
    %add3A_395 = arith.constant 32768 : i32
    %add3A_396 = arith.addi %add3A_395, %mul3A_2 : i32
    %dma_start3A_397 = arith.constant 1024 : i32
    %dma_start3A_398 = tpu.memref_slice %arg6[%dma_start3A_397] : memref<3072xf32, #tpu.memory_space<vmem>> -> memref<512xf32, #tpu.memory_space<vmem>>
    %dma_start3A_399 = tpu.memref_slice %arg4[%add3A_396] : memref<98304xf32, #tpu.memory_space<hbm>> -> memref<512xf32, #tpu.memory_space<hbm>>
    %dma_start3A_400 = tpu.memref_slice %arg4[%add3A_396] : memref<98304xf32, #tpu.memory_space<hbm>> -> memref<512xf32, #tpu.memory_space<hbm>>
    %dma_start3A_401 = arith.constant 1024 : i32
    %dma_start3A_402 = tpu.memref_slice %arg6[%dma_start3A_401] : memref<3072xf32, #tpu.memory_space<vmem>> -> memref<512xf32, #tpu.memory_space<vmem>>
    tpu.enqueue_dma source(%dma_start3A_402 : memref<512xf32, #tpu.memory_space<vmem>>) target(%dma_start3A_400 : memref<512xf32, #tpu.memory_space<hbm>>) target_semaphore(%arg7 : memref<!tpu.dma_semaphore, #tpu.memory_space<semaphore_mem>>)
    %add3A_403 = arith.constant 49152 : i32
    %add3A_404 = arith.addi %add3A_403, %mul3A_2 : i32
    %dma_start3A_405 = arith.constant 1536 : i32
    %dma_start3A_406 = tpu.memref_slice %arg6[%dma_start3A_405] : memref<3072xf32, #tpu.memory_space<vmem>> -> memref<512xf32, #tpu.memory_space<vmem>>
    %dma_start3A_407 = tpu.memref_slice %arg4[%add3A_404] : memref<98304xf32, #tpu.memory_space<hbm>> -> memref<512xf32, #tpu.memory_space<hbm>>
    %dma_start3A_408 = tpu.memref_slice %arg4[%add3A_404] : memref<98304xf32, #tpu.memory_space<hbm>> -> memref<512xf32, #tpu.memory_space<hbm>>
    %dma_start3A_409 = arith.constant 1536 : i32
    %dma_start3A_410 = tpu.memref_slice %arg6[%dma_start3A_409] : memref<3072xf32, #tpu.memory_space<vmem>> -> memref<512xf32, #tpu.memory_space<vmem>>
    tpu.enqueue_dma source(%dma_start3A_410 : memref<512xf32, #tpu.memory_space<vmem>>) target(%dma_start3A_408 : memref<512xf32, #tpu.memory_space<hbm>>) target_semaphore(%arg7 : memref<!tpu.dma_semaphore, #tpu.memory_space<semaphore_mem>>)
    %add3A_411 = arith.constant 65536 : i32
    %add3A_412 = arith.addi %add3A_411, %mul3A_2 : i32
    %dma_start3A_413 = arith.constant 2048 : i32
    %dma_start3A_414 = tpu.memref_slice %arg6[%dma_start3A_413] : memref<3072xf32, #tpu.memory_space<vmem>> -> memref<512xf32, #tpu.memory_space<vmem>>
    %dma_start3A_415 = tpu.memref_slice %arg4[%add3A_412] : memref<98304xf32, #tpu.memory_space<hbm>> -> memref<512xf32, #tpu.memory_space<hbm>>
    %dma_start3A_416 = tpu.memref_slice %arg4[%add3A_412] : memref<98304xf32, #tpu.memory_space<hbm>> -> memref<512xf32, #tpu.memory_space<hbm>>
    %dma_start3A_417 = arith.constant 2048 : i32
    %dma_start3A_418 = tpu.memref_slice %arg6[%dma_start3A_417] : memref<3072xf32, #tpu.memory_space<vmem>> -> memref<512xf32, #tpu.memory_space<vmem>>
    tpu.enqueue_dma source(%dma_start3A_418 : memref<512xf32, #tpu.memory_space<vmem>>) target(%dma_start3A_416 : memref<512xf32, #tpu.memory_space<hbm>>) target_semaphore(%arg7 : memref<!tpu.dma_semaphore, #tpu.memory_space<semaphore_mem>>)
    %add3A_419 = arith.constant 81920 : i32
    %add3A_420 = arith.addi %add3A_419, %mul3A_2 : i32
    %dma_start3A_421 = arith.constant 2560 : i32
    %dma_start3A_422 = tpu.memref_slice %arg6[%dma_start3A_421] : memref<3072xf32, #tpu.memory_space<vmem>> -> memref<512xf32, #tpu.memory_space<vmem>>
    %dma_start3A_423 = tpu.memref_slice %arg4[%add3A_420] : memref<98304xf32, #tpu.memory_space<hbm>> -> memref<512xf32, #tpu.memory_space<hbm>>
    %dma_start3A_424 = tpu.memref_slice %arg4[%add3A_420] : memref<98304xf32, #tpu.memory_space<hbm>> -> memref<512xf32, #tpu.memory_space<hbm>>
    %dma_start3A_425 = arith.constant 2560 : i32
    %dma_start3A_426 = tpu.memref_slice %arg6[%dma_start3A_425] : memref<3072xf32, #tpu.memory_space<vmem>> -> memref<512xf32, #tpu.memory_space<vmem>>
    tpu.enqueue_dma source(%dma_start3A_426 : memref<512xf32, #tpu.memory_space<vmem>>) target(%dma_start3A_424 : memref<512xf32, #tpu.memory_space<hbm>>) target_semaphore(%arg7 : memref<!tpu.dma_semaphore, #tpu.memory_space<semaphore_mem>>)
    %dma_wait3A_427 = arith.constant 0 : i32
    %dma_wait3A_428 = tpu.memref_slice %arg6[%dma_wait3A_427] : memref<3072xf32, #tpu.memory_space<vmem>> -> memref<512xf32, #tpu.memory_space<vmem>>
    %dma_wait3A_429 = tpu.memref_slice %arg4[%add3A_380] : memref<98304xf32, #tpu.memory_space<hbm>> -> memref<512xf32, #tpu.memory_space<hbm>>
    %dma_wait3A_430 = tpu.memref_slice %arg4[%add3A_380] : memref<98304xf32, #tpu.memory_space<hbm>> -> memref<512xf32, #tpu.memory_space<hbm>>
    %dma_wait3A_431 = arith.constant 0 : i32
    %dma_wait3A_432 = tpu.memref_slice %arg6[%dma_wait3A_431] : memref<3072xf32, #tpu.memory_space<vmem>> -> memref<512xf32, #tpu.memory_space<vmem>>
    tpu.wait_dma2 semaphore(%arg7 : memref<!tpu.dma_semaphore, #tpu.memory_space<semaphore_mem>>) src(%dma_wait3A_432 : memref<512xf32, #tpu.memory_space<vmem>>) dst(%dma_wait3A_430 : memref<512xf32, #tpu.memory_space<hbm>>)
    %dma_wait3A_433 = arith.constant 512 : i32
    %dma_wait3A_434 = tpu.memref_slice %arg6[%dma_wait3A_433] : memref<3072xf32, #tpu.memory_space<vmem>> -> memref<512xf32, #tpu.memory_space<vmem>>
    %dma_wait3A_435 = tpu.memref_slice %arg4[%add3A_388] : memref<98304xf32, #tpu.memory_space<hbm>> -> memref<512xf32, #tpu.memory_space<hbm>>
    %dma_wait3A_436 = tpu.memref_slice %arg4[%add3A_388] : memref<98304xf32, #tpu.memory_space<hbm>> -> memref<512xf32, #tpu.memory_space<hbm>>
    %dma_wait3A_437 = arith.constant 512 : i32
    %dma_wait3A_438 = tpu.memref_slice %arg6[%dma_wait3A_437] : memref<3072xf32, #tpu.memory_space<vmem>> -> memref<512xf32, #tpu.memory_space<vmem>>
    tpu.wait_dma2 semaphore(%arg7 : memref<!tpu.dma_semaphore, #tpu.memory_space<semaphore_mem>>) src(%dma_wait3A_438 : memref<512xf32, #tpu.memory_space<vmem>>) dst(%dma_wait3A_436 : memref<512xf32, #tpu.memory_space<hbm>>)
    %dma_wait3A_439 = arith.constant 1024 : i32
    %dma_wait3A_440 = tpu.memref_slice %arg6[%dma_wait3A_439] : memref<3072xf32, #tpu.memory_space<vmem>> -> memref<512xf32, #tpu.memory_space<vmem>>
    %dma_wait3A_441 = tpu.memref_slice %arg4[%add3A_396] : memref<98304xf32, #tpu.memory_space<hbm>> -> memref<512xf32, #tpu.memory_space<hbm>>
    %dma_wait3A_442 = tpu.memref_slice %arg4[%add3A_396] : memref<98304xf32, #tpu.memory_space<hbm>> -> memref<512xf32, #tpu.memory_space<hbm>>
    %dma_wait3A_443 = arith.constant 1024 : i32
    %dma_wait3A_444 = tpu.memref_slice %arg6[%dma_wait3A_443] : memref<3072xf32, #tpu.memory_space<vmem>> -> memref<512xf32, #tpu.memory_space<vmem>>
    tpu.wait_dma2 semaphore(%arg7 : memref<!tpu.dma_semaphore, #tpu.memory_space<semaphore_mem>>) src(%dma_wait3A_444 : memref<512xf32, #tpu.memory_space<vmem>>) dst(%dma_wait3A_442 : memref<512xf32, #tpu.memory_space<hbm>>)
    %dma_wait3A_445 = arith.constant 1536 : i32
    %dma_wait3A_446 = tpu.memref_slice %arg6[%dma_wait3A_445] : memref<3072xf32, #tpu.memory_space<vmem>> -> memref<512xf32, #tpu.memory_space<vmem>>
    %dma_wait3A_447 = tpu.memref_slice %arg4[%add3A_404] : memref<98304xf32, #tpu.memory_space<hbm>> -> memref<512xf32, #tpu.memory_space<hbm>>
    %dma_wait3A_448 = tpu.memref_slice %arg4[%add3A_404] : memref<98304xf32, #tpu.memory_space<hbm>> -> memref<512xf32, #tpu.memory_space<hbm>>
    %dma_wait3A_449 = arith.constant 1536 : i32
    %dma_wait3A_450 = tpu.memref_slice %arg6[%dma_wait3A_449] : memref<3072xf32, #tpu.memory_space<vmem>> -> memref<512xf32, #tpu.memory_space<vmem>>
    tpu.wait_dma2 semaphore(%arg7 : memref<!tpu.dma_semaphore, #tpu.memory_space<semaphore_mem>>) src(%dma_wait3A_450 : memref<512xf32, #tpu.memory_space<vmem>>) dst(%dma_wait3A_448 : memref<512xf32, #tpu.memory_space<hbm>>)
    %dma_wait3A_451 = arith.constant 2048 : i32
    %dma_wait3A_452 = tpu.memref_slice %arg6[%dma_wait3A_451] : memref<3072xf32, #tpu.memory_space<vmem>> -> memref<512xf32, #tpu.memory_space<vmem>>
    %dma_wait3A_453 = tpu.memref_slice %arg4[%add3A_412] : memref<98304xf32, #tpu.memory_space<hbm>> -> memref<512xf32, #tpu.memory_space<hbm>>
    %dma_wait3A_454 = tpu.memref_slice %arg4[%add3A_412] : memref<98304xf32, #tpu.memory_space<hbm>> -> memref<512xf32, #tpu.memory_space<hbm>>
    %dma_wait3A_455 = arith.constant 2048 : i32
    %dma_wait3A_456 = tpu.memref_slice %arg6[%dma_wait3A_455] : memref<3072xf32, #tpu.memory_space<vmem>> -> memref<512xf32, #tpu.memory_space<vmem>>
    tpu.wait_dma2 semaphore(%arg7 : memref<!tpu.dma_semaphore, #tpu.memory_space<semaphore_mem>>) src(%dma_wait3A_456 : memref<512xf32, #tpu.memory_space<vmem>>) dst(%dma_wait3A_454 : memref<512xf32, #tpu.memory_space<hbm>>)
    %dma_wait3A_457 = arith.constant 2560 : i32
    %dma_wait3A_458 = tpu.memref_slice %arg6[%dma_wait3A_457] : memref<3072xf32, #tpu.memory_space<vmem>> -> memref<512xf32, #tpu.memory_space<vmem>>
    %dma_wait3A_459 = tpu.memref_slice %arg4[%add3A_420] : memref<98304xf32, #tpu.memory_space<hbm>> -> memref<512xf32, #tpu.memory_space<hbm>>
    %dma_wait3A_460 = tpu.memref_slice %arg4[%add3A_420] : memref<98304xf32, #tpu.memory_space<hbm>> -> memref<512xf32, #tpu.memory_space<hbm>>
    %dma_wait3A_461 = arith.constant 2560 : i32
    %dma_wait3A_462 = tpu.memref_slice %arg6[%dma_wait3A_461] : memref<3072xf32, #tpu.memory_space<vmem>> -> memref<512xf32, #tpu.memory_space<vmem>>
    tpu.wait_dma2 semaphore(%arg7 : memref<!tpu.dma_semaphore, #tpu.memory_space<semaphore_mem>>) src(%dma_wait3A_462 : memref<512xf32, #tpu.memory_space<vmem>>) dst(%dma_wait3A_460 : memref<512xf32, #tpu.memory_space<hbm>>)
    return
  }
}

module attributes {stable_mosaic.version = 14 : i64} {
  func.func @_tc_math_kernel(%arg0: memref<6x128x128xf32, #tpu.memory_space<vmem>>, %arg1: memref<3x128x128xf32, #tpu.memory_space<vmem>>, %arg2: memref<1x1xf32, #tpu.memory_space<vmem>>, %arg3: memref<1x1xf32, #tpu.memory_space<smem>>) attributes {dimension_semantics = [], scalar_prefetch = 0 : i64, scratch_operands = 0 : i64, tpu.core_type = #tpu.core_type<tc>} {
    %get3A = arith.constant 0 : index
    %get3A_0 = arith.constant 0 : index
    %get3A_1 = vector.load %arg2[%get3A, %get3A_0] : memref<1x1xf32, #tpu.memory_space<vmem>>, vector<1x1xf32>
    %get3A_2 = vector.extract %get3A_1[0, 0] : f32 from vector<1x1xf32>
    %jit3A = arith.constant 0.00999999977 : f32
    %jit3A_3 = arith.constant 9.990000e-01 : f32
    %max3A = arith.maximumf %jit3A, %get3A_2 : f32
    %min3A = arith.minimumf %jit3A_3, %max3A : f32
    %get3A_4 = arith.constant 0 : index
    %get3A_5 = arith.constant 0 : index
    %get3A_6 = arith.constant 0 : index
    %get3A_7 = vector.load %arg0[%get3A_4, %get3A_5, %get3A_6] : memref<6x128x128xf32, #tpu.memory_space<vmem>>, vector<1x128x128xf32>
    %get3A_8 = vector.shape_cast %get3A_7 : vector<1x128x128xf32> to vector<128x128xf32>
    %get3A_9 = arith.constant 1 : index
    %get3A_10 = arith.constant 0 : index
    %get3A_11 = arith.constant 0 : index
    %get3A_12 = vector.load %arg0[%get3A_9, %get3A_10, %get3A_11] : memref<6x128x128xf32, #tpu.memory_space<vmem>>, vector<1x128x128xf32>
    %get3A_13 = vector.shape_cast %get3A_12 : vector<1x128x128xf32> to vector<128x128xf32>
    %mul3A = arith.mulf %get3A_8, %get3A_8 : vector<128x128xf32>
    %mul3A_14 = arith.mulf %get3A_13, %get3A_13 : vector<128x128xf32>
    %add3A = arith.addf %mul3A, %mul3A_14 : vector<128x128xf32>
    %sqrt3A = math.sqrt %add3A : vector<128x128xf32>
    %max3A_15 = arith.constant 9.99999996E-13 : f32
    %max3A_16 = vector.broadcast %max3A_15 : f32 to vector<128x128xf32>
    %max3A_17 = arith.maximumf %sqrt3A, %max3A_16 : vector<128x128xf32>
    %div3A = vector.broadcast %min3A : f32 to vector<128x128xf32>
    %div3A_18 = arith.divf %div3A, %max3A_17 : vector<128x128xf32>
    %mul3A_19 = arith.mulf %get3A_8, %div3A_18 : vector<128x128xf32>
    %mul3A_20 = arith.mulf %get3A_13, %div3A_18 : vector<128x128xf32>
    %get3A_21 = arith.constant 2 : index
    %get3A_22 = arith.constant 0 : index
    %get3A_23 = arith.constant 0 : index
    %get3A_24 = vector.load %arg0[%get3A_21, %get3A_22, %get3A_23] : memref<6x128x128xf32, #tpu.memory_space<vmem>>, vector<1x128x128xf32>
    %get3A_25 = vector.shape_cast %get3A_24 : vector<1x128x128xf32> to vector<128x128xf32>
    %get3A_26 = arith.constant 3 : index
    %get3A_27 = arith.constant 0 : index
    %get3A_28 = arith.constant 0 : index
    %get3A_29 = vector.load %arg0[%get3A_26, %get3A_27, %get3A_28] : memref<6x128x128xf32, #tpu.memory_space<vmem>>, vector<1x128x128xf32>
    %get3A_30 = vector.shape_cast %get3A_29 : vector<1x128x128xf32> to vector<128x128xf32>
    %mul3A_31 = arith.mulf %get3A_25, %get3A_25 : vector<128x128xf32>
    %mul3A_32 = arith.mulf %get3A_30, %get3A_30 : vector<128x128xf32>
    %add3A_33 = arith.addf %mul3A_31, %mul3A_32 : vector<128x128xf32>
    %sqrt3A_34 = math.sqrt %add3A_33 : vector<128x128xf32>
    %max3A_35 = arith.constant 9.99999996E-13 : f32
    %max3A_36 = vector.broadcast %max3A_35 : f32 to vector<128x128xf32>
    %max3A_37 = arith.maximumf %sqrt3A_34, %max3A_36 : vector<128x128xf32>
    %div3A_38 = vector.broadcast %min3A : f32 to vector<128x128xf32>
    %div3A_39 = arith.divf %div3A_38, %max3A_37 : vector<128x128xf32>
    %mul3A_40 = arith.mulf %get3A_25, %div3A_39 : vector<128x128xf32>
    %mul3A_41 = arith.mulf %get3A_30, %div3A_39 : vector<128x128xf32>
    %get3A_42 = arith.constant 4 : index
    %get3A_43 = arith.constant 0 : index
    %get3A_44 = arith.constant 0 : index
    %get3A_45 = vector.load %arg0[%get3A_42, %get3A_43, %get3A_44] : memref<6x128x128xf32, #tpu.memory_space<vmem>>, vector<1x128x128xf32>
    %get3A_46 = vector.shape_cast %get3A_45 : vector<1x128x128xf32> to vector<128x128xf32>
    %get3A_47 = arith.constant 5 : index
    %get3A_48 = arith.constant 0 : index
    %get3A_49 = arith.constant 0 : index
    %get3A_50 = vector.load %arg0[%get3A_47, %get3A_48, %get3A_49] : memref<6x128x128xf32, #tpu.memory_space<vmem>>, vector<1x128x128xf32>
    %get3A_51 = vector.shape_cast %get3A_50 : vector<1x128x128xf32> to vector<128x128xf32>
    %mul3A_52 = arith.mulf %get3A_46, %get3A_46 : vector<128x128xf32>
    %mul3A_53 = arith.mulf %get3A_51, %get3A_51 : vector<128x128xf32>
    %add3A_54 = arith.addf %mul3A_52, %mul3A_53 : vector<128x128xf32>
    %sqrt3A_55 = math.sqrt %add3A_54 : vector<128x128xf32>
    %max3A_56 = arith.constant 9.99999996E-13 : f32
    %max3A_57 = vector.broadcast %max3A_56 : f32 to vector<128x128xf32>
    %max3A_58 = arith.maximumf %sqrt3A_55, %max3A_57 : vector<128x128xf32>
    %div3A_59 = vector.broadcast %min3A : f32 to vector<128x128xf32>
    %div3A_60 = arith.divf %div3A_59, %max3A_58 : vector<128x128xf32>
    %mul3A_61 = arith.mulf %get3A_46, %div3A_60 : vector<128x128xf32>
    %mul3A_62 = arith.mulf %get3A_51, %div3A_60 : vector<128x128xf32>
    %mul3A_63 = arith.mulf %mul3A_19, %mul3A_19 : vector<128x128xf32>
    %mul3A_64 = arith.mulf %mul3A_20, %mul3A_20 : vector<128x128xf32>
    %add3A_65 = arith.addf %mul3A_63, %mul3A_64 : vector<128x128xf32>
    %max3A_66 = arith.constant 1.000000e-30 : f32
    %max3A_67 = vector.broadcast %max3A_66 : f32 to vector<128x128xf32>
    %max3A_68 = arith.maximumf %add3A_65, %max3A_67 : vector<128x128xf32>
    %div3A_69 = arith.divf %mul3A_19, %max3A_68 : vector<128x128xf32>
    %div3A_70 = arith.divf %mul3A_20, %max3A_68 : vector<128x128xf32>
    %mul3A_71 = arith.mulf %div3A_69, %div3A_69 : vector<128x128xf32>
    %mul3A_72 = arith.mulf %div3A_70, %div3A_70 : vector<128x128xf32>
    %add3A_73 = arith.addf %mul3A_71, %mul3A_72 : vector<128x128xf32>
    %sub3A = arith.constant 1.000000e+00 : f32
    %sub3A_74 = vector.broadcast %sub3A : f32 to vector<128x128xf32>
    %sub3A_75 = arith.subf %add3A_73, %sub3A_74 : vector<128x128xf32>
    %sub3A_76 = arith.subf %mul3A_40, %div3A_69 : vector<128x128xf32>
    %sub3A_77 = arith.subf %mul3A_41, %div3A_70 : vector<128x128xf32>
    %mul3A_78 = arith.mulf %sub3A_76, %sub3A_76 : vector<128x128xf32>
    %mul3A_79 = arith.mulf %sub3A_77, %sub3A_77 : vector<128x128xf32>
    %add3A_80 = arith.addf %mul3A_78, %mul3A_79 : vector<128x128xf32>
    %max3A_81 = arith.constant 1.000000e-30 : f32
    %max3A_82 = vector.broadcast %max3A_81 : f32 to vector<128x128xf32>
    %max3A_83 = arith.maximumf %add3A_80, %max3A_82 : vector<128x128xf32>
    %div3A_84 = arith.divf %sub3A_75, %max3A_83 : vector<128x128xf32>
    %mul3A_85 = arith.mulf %div3A_84, %sub3A_76 : vector<128x128xf32>
    %add3A_86 = arith.addf %mul3A_85, %div3A_69 : vector<128x128xf32>
    %mul3A_87 = arith.mulf %div3A_84, %sub3A_77 : vector<128x128xf32>
    %add3A_88 = arith.addf %mul3A_87, %div3A_70 : vector<128x128xf32>
    %mul3A_89 = arith.mulf %mul3A_19, %add3A_86 : vector<128x128xf32>
    %mul3A_90 = arith.mulf %mul3A_20, %add3A_88 : vector<128x128xf32>
    %add3A_91 = arith.addf %mul3A_89, %mul3A_90 : vector<128x128xf32>
    %mul3A_92 = arith.constant 2.000000e+00 : f32
    %mul3A_93 = vector.broadcast %mul3A_92 : f32 to vector<128x128xf32>
    %mul3A_94 = arith.mulf %mul3A_93, %add3A_91 : vector<128x128xf32>
    %mul3A_95 = arith.mulf %add3A_86, %add3A_86 : vector<128x128xf32>
    %mul3A_96 = arith.mulf %add3A_88, %add3A_88 : vector<128x128xf32>
    %add3A_97 = arith.addf %mul3A_95, %mul3A_96 : vector<128x128xf32>
    %max3A_98 = arith.constant 1.000000e-30 : f32
    %max3A_99 = vector.broadcast %max3A_98 : f32 to vector<128x128xf32>
    %max3A_100 = arith.maximumf %add3A_97, %max3A_99 : vector<128x128xf32>
    %div3A_101 = arith.divf %mul3A_94, %max3A_100 : vector<128x128xf32>
    %mul3A_102 = arith.mulf %div3A_101, %add3A_86 : vector<128x128xf32>
    %sub3A_103 = arith.subf %mul3A_102, %mul3A_19 : vector<128x128xf32>
    %mul3A_104 = arith.mulf %div3A_101, %add3A_88 : vector<128x128xf32>
    %sub3A_105 = arith.subf %mul3A_104, %mul3A_20 : vector<128x128xf32>
    %sub3A_106 = arith.subf %sub3A_103, %div3A_69 : vector<128x128xf32>
    %sub3A_107 = arith.subf %sub3A_105, %div3A_70 : vector<128x128xf32>
    %mul3A_108 = arith.mulf %sub3A_106, %sub3A_106 : vector<128x128xf32>
    %mul3A_109 = arith.mulf %sub3A_107, %sub3A_107 : vector<128x128xf32>
    %add3A_110 = arith.addf %mul3A_108, %mul3A_109 : vector<128x128xf32>
    %max3A_111 = arith.constant 1.000000e-30 : f32
    %max3A_112 = vector.broadcast %max3A_111 : f32 to vector<128x128xf32>
    %max3A_113 = arith.maximumf %add3A_110, %max3A_112 : vector<128x128xf32>
    %div3A_114 = arith.divf %sub3A_75, %max3A_113 : vector<128x128xf32>
    %mul3A_115 = arith.mulf %div3A_114, %sub3A_106 : vector<128x128xf32>
    %add3A_116 = arith.addf %mul3A_115, %div3A_69 : vector<128x128xf32>
    %mul3A_117 = arith.mulf %div3A_114, %sub3A_107 : vector<128x128xf32>
    %add3A_118 = arith.addf %mul3A_117, %div3A_70 : vector<128x128xf32>
    %mul3A_119 = arith.mulf %add3A_116, %add3A_116 : vector<128x128xf32>
    %mul3A_120 = arith.mulf %add3A_118, %add3A_118 : vector<128x128xf32>
    %add3A_121 = arith.addf %mul3A_119, %mul3A_120 : vector<128x128xf32>
    %sub3A_122 = arith.constant 1.000000e+00 : f32
    %sub3A_123 = vector.broadcast %sub3A_122 : f32 to vector<128x128xf32>
    %sub3A_124 = arith.subf %sub3A_123, %add3A_121 : vector<128x128xf32>
    %max3A_125 = arith.constant 0.000000e+00 : f32
    %max3A_126 = vector.broadcast %max3A_125 : f32 to vector<128x128xf32>
    %max3A_127 = arith.maximumf %sub3A_124, %max3A_126 : vector<128x128xf32>
    %sqrt3A_128 = math.sqrt %max3A_127 : vector<128x128xf32>
    %add3A_129 = arith.constant 1.000000e+00 : f32
    %add3A_130 = vector.broadcast %add3A_129 : f32 to vector<128x128xf32>
    %add3A_131 = arith.addf %add3A_130, %sqrt3A_128 : vector<128x128xf32>
    %sqrt3A_132 = math.sqrt %add3A_121 : vector<128x128xf32>
    %div3A_133 = arith.divf %sqrt3A_132, %add3A_131 : vector<128x128xf32>
    %min3A_134 = arith.constant 0.99999988 : f32
    %min3A_135 = vector.broadcast %min3A_134 : f32 to vector<128x128xf32>
    %min3A_136 = arith.minimumf %div3A_133, %min3A_135 : vector<128x128xf32>
    %add3A_137 = arith.constant 1.000000e+00 : f32
    %add3A_138 = vector.broadcast %add3A_137 : f32 to vector<128x128xf32>
    %add3A_139 = arith.addf %add3A_138, %min3A_136 : vector<128x128xf32>
    %sub3A_140 = arith.constant 1.000000e+00 : f32
    %sub3A_141 = vector.broadcast %sub3A_140 : f32 to vector<128x128xf32>
    %sub3A_142 = arith.subf %sub3A_141, %min3A_136 : vector<128x128xf32>
    %div3A_143 = arith.divf %add3A_139, %sub3A_142 : vector<128x128xf32>
    %log3A = math.log %div3A_143 : vector<128x128xf32>
    %mul3A_144 = arith.constant 2.000000e+01 : f32
    %mul3A_145 = vector.broadcast %mul3A_144 : f32 to vector<128x128xf32>
    %mul3A_146 = arith.mulf %log3A, %mul3A_145 : vector<128x128xf32>
    %mul3A_147 = arith.mulf %mul3A_19, %mul3A_19 : vector<128x128xf32>
    %mul3A_148 = arith.mulf %mul3A_20, %mul3A_20 : vector<128x128xf32>
    %add3A_149 = arith.addf %mul3A_147, %mul3A_148 : vector<128x128xf32>
    %max3A_150 = arith.constant 1.000000e-30 : f32
    %max3A_151 = vector.broadcast %max3A_150 : f32 to vector<128x128xf32>
    %max3A_152 = arith.maximumf %add3A_149, %max3A_151 : vector<128x128xf32>
    %div3A_153 = arith.divf %mul3A_19, %max3A_152 : vector<128x128xf32>
    %div3A_154 = arith.divf %mul3A_20, %max3A_152 : vector<128x128xf32>
    %mul3A_155 = arith.mulf %div3A_153, %div3A_153 : vector<128x128xf32>
    %mul3A_156 = arith.mulf %div3A_154, %div3A_154 : vector<128x128xf32>
    %add3A_157 = arith.addf %mul3A_155, %mul3A_156 : vector<128x128xf32>
    %sub3A_158 = arith.constant 1.000000e+00 : f32
    %sub3A_159 = vector.broadcast %sub3A_158 : f32 to vector<128x128xf32>
    %sub3A_160 = arith.subf %add3A_157, %sub3A_159 : vector<128x128xf32>
    %sub3A_161 = arith.subf %mul3A_61, %div3A_153 : vector<128x128xf32>
    %sub3A_162 = arith.subf %mul3A_62, %div3A_154 : vector<128x128xf32>
    %mul3A_163 = arith.mulf %sub3A_161, %sub3A_161 : vector<128x128xf32>
    %mul3A_164 = arith.mulf %sub3A_162, %sub3A_162 : vector<128x128xf32>
    %add3A_165 = arith.addf %mul3A_163, %mul3A_164 : vector<128x128xf32>
    %max3A_166 = arith.constant 1.000000e-30 : f32
    %max3A_167 = vector.broadcast %max3A_166 : f32 to vector<128x128xf32>
    %max3A_168 = arith.maximumf %add3A_165, %max3A_167 : vector<128x128xf32>
    %div3A_169 = arith.divf %sub3A_160, %max3A_168 : vector<128x128xf32>
    %mul3A_170 = arith.mulf %div3A_169, %sub3A_161 : vector<128x128xf32>
    %add3A_171 = arith.addf %mul3A_170, %div3A_153 : vector<128x128xf32>
    %mul3A_172 = arith.mulf %div3A_169, %sub3A_162 : vector<128x128xf32>
    %add3A_173 = arith.addf %mul3A_172, %div3A_154 : vector<128x128xf32>
    %mul3A_174 = arith.mulf %mul3A_19, %add3A_171 : vector<128x128xf32>
    %mul3A_175 = arith.mulf %mul3A_20, %add3A_173 : vector<128x128xf32>
    %add3A_176 = arith.addf %mul3A_174, %mul3A_175 : vector<128x128xf32>
    %mul3A_177 = arith.constant 2.000000e+00 : f32
    %mul3A_178 = vector.broadcast %mul3A_177 : f32 to vector<128x128xf32>
    %mul3A_179 = arith.mulf %mul3A_178, %add3A_176 : vector<128x128xf32>
    %mul3A_180 = arith.mulf %add3A_171, %add3A_171 : vector<128x128xf32>
    %mul3A_181 = arith.mulf %add3A_173, %add3A_173 : vector<128x128xf32>
    %add3A_182 = arith.addf %mul3A_180, %mul3A_181 : vector<128x128xf32>
    %max3A_183 = arith.constant 1.000000e-30 : f32
    %max3A_184 = vector.broadcast %max3A_183 : f32 to vector<128x128xf32>
    %max3A_185 = arith.maximumf %add3A_182, %max3A_184 : vector<128x128xf32>
    %div3A_186 = arith.divf %mul3A_179, %max3A_185 : vector<128x128xf32>
    %mul3A_187 = arith.mulf %div3A_186, %add3A_171 : vector<128x128xf32>
    %sub3A_188 = arith.subf %mul3A_187, %mul3A_19 : vector<128x128xf32>
    %mul3A_189 = arith.mulf %div3A_186, %add3A_173 : vector<128x128xf32>
    %sub3A_190 = arith.subf %mul3A_189, %mul3A_20 : vector<128x128xf32>
    %sub3A_191 = arith.subf %sub3A_188, %div3A_153 : vector<128x128xf32>
    %sub3A_192 = arith.subf %sub3A_190, %div3A_154 : vector<128x128xf32>
    %mul3A_193 = arith.mulf %sub3A_191, %sub3A_191 : vector<128x128xf32>
    %mul3A_194 = arith.mulf %sub3A_192, %sub3A_192 : vector<128x128xf32>
    %add3A_195 = arith.addf %mul3A_193, %mul3A_194 : vector<128x128xf32>
    %max3A_196 = arith.constant 1.000000e-30 : f32
    %max3A_197 = vector.broadcast %max3A_196 : f32 to vector<128x128xf32>
    %max3A_198 = arith.maximumf %add3A_195, %max3A_197 : vector<128x128xf32>
    %div3A_199 = arith.divf %sub3A_160, %max3A_198 : vector<128x128xf32>
    %mul3A_200 = arith.mulf %div3A_199, %sub3A_191 : vector<128x128xf32>
    %add3A_201 = arith.addf %mul3A_200, %div3A_153 : vector<128x128xf32>
    %mul3A_202 = arith.mulf %div3A_199, %sub3A_192 : vector<128x128xf32>
    %add3A_203 = arith.addf %mul3A_202, %div3A_154 : vector<128x128xf32>
    %mul3A_204 = arith.mulf %add3A_201, %add3A_201 : vector<128x128xf32>
    %mul3A_205 = arith.mulf %add3A_203, %add3A_203 : vector<128x128xf32>
    %add3A_206 = arith.addf %mul3A_204, %mul3A_205 : vector<128x128xf32>
    %sub3A_207 = arith.constant 1.000000e+00 : f32
    %sub3A_208 = vector.broadcast %sub3A_207 : f32 to vector<128x128xf32>
    %sub3A_209 = arith.subf %sub3A_208, %add3A_206 : vector<128x128xf32>
    %max3A_210 = arith.constant 0.000000e+00 : f32
    %max3A_211 = vector.broadcast %max3A_210 : f32 to vector<128x128xf32>
    %max3A_212 = arith.maximumf %sub3A_209, %max3A_211 : vector<128x128xf32>
    %sqrt3A_213 = math.sqrt %max3A_212 : vector<128x128xf32>
    %add3A_214 = arith.constant 1.000000e+00 : f32
    %add3A_215 = vector.broadcast %add3A_214 : f32 to vector<128x128xf32>
    %add3A_216 = arith.addf %add3A_215, %sqrt3A_213 : vector<128x128xf32>
    %sqrt3A_217 = math.sqrt %add3A_206 : vector<128x128xf32>
    %div3A_218 = arith.divf %sqrt3A_217, %add3A_216 : vector<128x128xf32>
    %min3A_219 = arith.constant 0.99999988 : f32
    %min3A_220 = vector.broadcast %min3A_219 : f32 to vector<128x128xf32>
    %min3A_221 = arith.minimumf %div3A_218, %min3A_220 : vector<128x128xf32>
    %add3A_222 = arith.constant 1.000000e+00 : f32
    %add3A_223 = vector.broadcast %add3A_222 : f32 to vector<128x128xf32>
    %add3A_224 = arith.addf %add3A_223, %min3A_221 : vector<128x128xf32>
    %sub3A_225 = arith.constant 1.000000e+00 : f32
    %sub3A_226 = vector.broadcast %sub3A_225 : f32 to vector<128x128xf32>
    %sub3A_227 = arith.subf %sub3A_226, %min3A_221 : vector<128x128xf32>
    %div3A_228 = arith.divf %add3A_224, %sub3A_227 : vector<128x128xf32>
    %log3A_229 = math.log %div3A_228 : vector<128x128xf32>
    %mul3A_230 = arith.constant 2.000000e+01 : f32
    %mul3A_231 = vector.broadcast %mul3A_230 : f32 to vector<128x128xf32>
    %mul3A_232 = arith.mulf %log3A_229, %mul3A_231 : vector<128x128xf32>
    %mul3A_233 = arith.mulf %mul3A_40, %mul3A_40 : vector<128x128xf32>
    %mul3A_234 = arith.mulf %mul3A_41, %mul3A_41 : vector<128x128xf32>
    %add3A_235 = arith.addf %mul3A_233, %mul3A_234 : vector<128x128xf32>
    %max3A_236 = arith.constant 1.000000e-30 : f32
    %max3A_237 = vector.broadcast %max3A_236 : f32 to vector<128x128xf32>
    %max3A_238 = arith.maximumf %add3A_235, %max3A_237 : vector<128x128xf32>
    %div3A_239 = arith.divf %mul3A_40, %max3A_238 : vector<128x128xf32>
    %div3A_240 = arith.divf %mul3A_41, %max3A_238 : vector<128x128xf32>
    %mul3A_241 = arith.mulf %div3A_239, %div3A_239 : vector<128x128xf32>
    %mul3A_242 = arith.mulf %div3A_240, %div3A_240 : vector<128x128xf32>
    %add3A_243 = arith.addf %mul3A_241, %mul3A_242 : vector<128x128xf32>
    %sub3A_244 = arith.constant 1.000000e+00 : f32
    %sub3A_245 = vector.broadcast %sub3A_244 : f32 to vector<128x128xf32>
    %sub3A_246 = arith.subf %add3A_243, %sub3A_245 : vector<128x128xf32>
    %sub3A_247 = arith.subf %mul3A_61, %div3A_239 : vector<128x128xf32>
    %sub3A_248 = arith.subf %mul3A_62, %div3A_240 : vector<128x128xf32>
    %mul3A_249 = arith.mulf %sub3A_247, %sub3A_247 : vector<128x128xf32>
    %mul3A_250 = arith.mulf %sub3A_248, %sub3A_248 : vector<128x128xf32>
    %add3A_251 = arith.addf %mul3A_249, %mul3A_250 : vector<128x128xf32>
    %max3A_252 = arith.constant 1.000000e-30 : f32
    %max3A_253 = vector.broadcast %max3A_252 : f32 to vector<128x128xf32>
    %max3A_254 = arith.maximumf %add3A_251, %max3A_253 : vector<128x128xf32>
    %div3A_255 = arith.divf %sub3A_246, %max3A_254 : vector<128x128xf32>
    %mul3A_256 = arith.mulf %div3A_255, %sub3A_247 : vector<128x128xf32>
    %add3A_257 = arith.addf %mul3A_256, %div3A_239 : vector<128x128xf32>
    %mul3A_258 = arith.mulf %div3A_255, %sub3A_248 : vector<128x128xf32>
    %add3A_259 = arith.addf %mul3A_258, %div3A_240 : vector<128x128xf32>
    %mul3A_260 = arith.mulf %mul3A_40, %add3A_257 : vector<128x128xf32>
    %mul3A_261 = arith.mulf %mul3A_41, %add3A_259 : vector<128x128xf32>
    %add3A_262 = arith.addf %mul3A_260, %mul3A_261 : vector<128x128xf32>
    %mul3A_263 = arith.constant 2.000000e+00 : f32
    %mul3A_264 = vector.broadcast %mul3A_263 : f32 to vector<128x128xf32>
    %mul3A_265 = arith.mulf %mul3A_264, %add3A_262 : vector<128x128xf32>
    %mul3A_266 = arith.mulf %add3A_257, %add3A_257 : vector<128x128xf32>
    %mul3A_267 = arith.mulf %add3A_259, %add3A_259 : vector<128x128xf32>
    %add3A_268 = arith.addf %mul3A_266, %mul3A_267 : vector<128x128xf32>
    %max3A_269 = arith.constant 1.000000e-30 : f32
    %max3A_270 = vector.broadcast %max3A_269 : f32 to vector<128x128xf32>
    %max3A_271 = arith.maximumf %add3A_268, %max3A_270 : vector<128x128xf32>
    %div3A_272 = arith.divf %mul3A_265, %max3A_271 : vector<128x128xf32>
    %mul3A_273 = arith.mulf %div3A_272, %add3A_257 : vector<128x128xf32>
    %sub3A_274 = arith.subf %mul3A_273, %mul3A_40 : vector<128x128xf32>
    %mul3A_275 = arith.mulf %div3A_272, %add3A_259 : vector<128x128xf32>
    %sub3A_276 = arith.subf %mul3A_275, %mul3A_41 : vector<128x128xf32>
    %sub3A_277 = arith.subf %sub3A_274, %div3A_239 : vector<128x128xf32>
    %sub3A_278 = arith.subf %sub3A_276, %div3A_240 : vector<128x128xf32>
    %mul3A_279 = arith.mulf %sub3A_277, %sub3A_277 : vector<128x128xf32>
    %mul3A_280 = arith.mulf %sub3A_278, %sub3A_278 : vector<128x128xf32>
    %add3A_281 = arith.addf %mul3A_279, %mul3A_280 : vector<128x128xf32>
    %max3A_282 = arith.constant 1.000000e-30 : f32
    %max3A_283 = vector.broadcast %max3A_282 : f32 to vector<128x128xf32>
    %max3A_284 = arith.maximumf %add3A_281, %max3A_283 : vector<128x128xf32>
    %div3A_285 = arith.divf %sub3A_246, %max3A_284 : vector<128x128xf32>
    %mul3A_286 = arith.mulf %div3A_285, %sub3A_277 : vector<128x128xf32>
    %add3A_287 = arith.addf %mul3A_286, %div3A_239 : vector<128x128xf32>
    %mul3A_288 = arith.mulf %div3A_285, %sub3A_278 : vector<128x128xf32>
    %add3A_289 = arith.addf %mul3A_288, %div3A_240 : vector<128x128xf32>
    %mul3A_290 = arith.mulf %add3A_287, %add3A_287 : vector<128x128xf32>
    %mul3A_291 = arith.mulf %add3A_289, %add3A_289 : vector<128x128xf32>
    %add3A_292 = arith.addf %mul3A_290, %mul3A_291 : vector<128x128xf32>
    %sub3A_293 = arith.constant 1.000000e+00 : f32
    %sub3A_294 = vector.broadcast %sub3A_293 : f32 to vector<128x128xf32>
    %sub3A_295 = arith.subf %sub3A_294, %add3A_292 : vector<128x128xf32>
    %max3A_296 = arith.constant 0.000000e+00 : f32
    %max3A_297 = vector.broadcast %max3A_296 : f32 to vector<128x128xf32>
    %max3A_298 = arith.maximumf %sub3A_295, %max3A_297 : vector<128x128xf32>
    %sqrt3A_299 = math.sqrt %max3A_298 : vector<128x128xf32>
    %add3A_300 = arith.constant 1.000000e+00 : f32
    %add3A_301 = vector.broadcast %add3A_300 : f32 to vector<128x128xf32>
    %add3A_302 = arith.addf %add3A_301, %sqrt3A_299 : vector<128x128xf32>
    %sqrt3A_303 = math.sqrt %add3A_292 : vector<128x128xf32>
    %div3A_304 = arith.divf %sqrt3A_303, %add3A_302 : vector<128x128xf32>
    %min3A_305 = arith.constant 0.99999988 : f32
    %min3A_306 = vector.broadcast %min3A_305 : f32 to vector<128x128xf32>
    %min3A_307 = arith.minimumf %div3A_304, %min3A_306 : vector<128x128xf32>
    %add3A_308 = arith.constant 1.000000e+00 : f32
    %add3A_309 = vector.broadcast %add3A_308 : f32 to vector<128x128xf32>
    %add3A_310 = arith.addf %add3A_309, %min3A_307 : vector<128x128xf32>
    %sub3A_311 = arith.constant 1.000000e+00 : f32
    %sub3A_312 = vector.broadcast %sub3A_311 : f32 to vector<128x128xf32>
    %sub3A_313 = arith.subf %sub3A_312, %min3A_307 : vector<128x128xf32>
    %div3A_314 = arith.divf %add3A_310, %sub3A_313 : vector<128x128xf32>
    %log3A_315 = math.log %div3A_314 : vector<128x128xf32>
    %mul3A_316 = arith.constant 2.000000e+01 : f32
    %mul3A_317 = vector.broadcast %mul3A_316 : f32 to vector<128x128xf32>
    %mul3A_318 = arith.mulf %log3A_315, %mul3A_317 : vector<128x128xf32>
    %max3A_319 = arith.maximumf %mul3A_146, %mul3A_232 : vector<128x128xf32>
    %max3A_320 = arith.maximumf %max3A_319, %mul3A_318 : vector<128x128xf32>
    %sub3A_321 = arith.subf %mul3A_146, %max3A_320 : vector<128x128xf32>
    %exp3A = math.exp %sub3A_321 : vector<128x128xf32>
    %sub3A_322 = arith.subf %mul3A_232, %max3A_320 : vector<128x128xf32>
    %exp3A_323 = math.exp %sub3A_322 : vector<128x128xf32>
    %sub3A_324 = arith.subf %mul3A_318, %max3A_320 : vector<128x128xf32>
    %exp3A_325 = math.exp %sub3A_324 : vector<128x128xf32>
    %add3A_326 = arith.addf %exp3A, %exp3A_323 : vector<128x128xf32>
    %add3A_327 = arith.addf %add3A_326, %exp3A_325 : vector<128x128xf32>
    %get3A_328 = arith.constant 0 : index
    %get3A_329 = arith.constant 0 : index
    %get3A_330 = arith.constant 0 : index
    %get3A_331 = vector.load %arg1[%get3A_328, %get3A_329, %get3A_330] : memref<3x128x128xf32, #tpu.memory_space<vmem>>, vector<1x128x128xf32>
    %get3A_332 = vector.shape_cast %get3A_331 : vector<1x128x128xf32> to vector<128x128xf32>
    %get3A_333 = arith.constant 1 : index
    %get3A_334 = arith.constant 0 : index
    %get3A_335 = arith.constant 0 : index
    %get3A_336 = vector.load %arg1[%get3A_333, %get3A_334, %get3A_335] : memref<3x128x128xf32, #tpu.memory_space<vmem>>, vector<1x128x128xf32>
    %get3A_337 = vector.shape_cast %get3A_336 : vector<1x128x128xf32> to vector<128x128xf32>
    %get3A_338 = arith.constant 2 : index
    %get3A_339 = arith.constant 0 : index
    %get3A_340 = arith.constant 0 : index
    %get3A_341 = vector.load %arg1[%get3A_338, %get3A_339, %get3A_340] : memref<3x128x128xf32, #tpu.memory_space<vmem>>, vector<1x128x128xf32>
    %get3A_342 = vector.shape_cast %get3A_341 : vector<1x128x128xf32> to vector<128x128xf32>
    %mul3A_343 = arith.mulf %get3A_332, %exp3A : vector<128x128xf32>
    %mul3A_344 = arith.mulf %get3A_337, %exp3A_323 : vector<128x128xf32>
    %add3A_345 = arith.addf %mul3A_343, %mul3A_344 : vector<128x128xf32>
    %mul3A_346 = arith.mulf %get3A_342, %exp3A_325 : vector<128x128xf32>
    %add3A_347 = arith.addf %add3A_345, %mul3A_346 : vector<128x128xf32>
    %div3A_348 = arith.divf %add3A_347, %add3A_327 : vector<128x128xf32>
    %add3A_349 = arith.addf %get3A_332, %get3A_337 : vector<128x128xf32>
    %add3A_350 = arith.addf %add3A_349, %get3A_342 : vector<128x128xf32>
    %sub3A_351 = arith.subf %add3A_350, %div3A_348 : vector<128x128xf32>
    %reduce_sum3A = vector.shape_cast %sub3A_351 : vector<128x128xf32> to vector<1x128x128xf32>
    %reduce_sum3A_352 = arith.constant dense<0.000000e+00> : vector<1xf32>
    %reduce_sum3A_353 = vector.multi_reduction <add>, %reduce_sum3A, %reduce_sum3A_352 [1, 2] : vector<1x128x128xf32> to vector<1xf32>
    %reduce_sum3A_354 = vector.shape_cast %reduce_sum3A_353 : vector<1xf32> to vector<1x1x1xf32>
    %reduce_sum3A_355 = vector.extract %reduce_sum3A_354[0, 0, 0] : f32 from vector<1x1x1xf32>
    %div3A_356 = arith.constant 1.638400e+04 : f32
    %div3A_357 = arith.divf %reduce_sum3A_355, %div3A_356 : f32
    %swap3A = arith.constant 0 : index
    %swap3A_358 = arith.constant 0 : index
    %swap3A_359 = memref.load %arg3[%swap3A, %swap3A_358] : memref<1x1xf32, #tpu.memory_space<smem>>
    memref.store %div3A_357, %arg3[%swap3A, %swap3A_358] : memref<1x1xf32, #tpu.memory_space<smem>>
    return
  }
}

</mosaic_0001>

<sc_bundles>
// kernel: kernel.4.cloned.1.call-start
scs
__scs_entry_jumppad:
0x0: {  	(pc) =	sbr.rel $0x88, $3  }
0x1: {  	(tag) =	ssettag $0x0;
	lr =	simm.s32 $0x1  }
0x2: {  	[smem:$0x3F9D] =	sst lr;
	_ =	strace $0xD0000000  }
0x3: {  	_ = 	snop  }
0x4: {  	_ = 	snop  }
0x5: {  	_ = 	snop  }
0x6: {  	_ = 	snop  }
0x7: {  	_ = 	snop  }
__scs_overlays_trampoline_lowered:
0x8: {  	[smem:$0x3FAC] =	sst s0  }
0x9: {  	[smem:$0x3FAD] =	sst s1  }
0xa: {  	[smem:$0x3FAE] =	sst s2  }
0xb: {  	[smem:$0x3FAF] =	sst s3  }
0xc: {  	[smem:$0x3FB0] =	sst s4  }
0xd: {  	[smem:$0x3FB1] =	sst s5  }
0xe: {  	[smem:$0x3FB2] =	sst s6  }
0xf: {  	[smem:$0x3FB3] =	sst s7  }
0x10: {  	[smem:$0x3FB4] =	sst s8  }
0x11: {  	[smem:$0x3FB5] =	sst s9;
	s0 =	simm.s32 @!p0 $0x0  }
0x12: {  	s1 =	sld [smem:$0x3F9B];
	s0 =	simm.s32 @p0 $0x1  }
0x13: {  	[smem:$0x3FB6] =	sst s0;
	s0 =	simm.s32 @!p1 $0x0  }
0x14: {  	s2 =	sld [smem:$0x3F9A];
	s0 =	simm.s32 @p1 $0x1  }
0x15: {  	[smem:$0x3FB7] =	sst s0;
	s0 =	simm.s32 @!p2 $0x0  }
0x16: {  	s3 =	sld [smem:$0x3FDB];
	s0 =	simm.s32 @p2 $0x1  }
0x17: {  	s4 =	simm.s32 $0x1BF5;
	[smem:$0x3FB9] =	sst s0  }
0x18: {  	s0 =	sld [smem:$0x3F9C];
	_ =	swait.ge [sflag:s4], $0x0  }
0x19: {  	s7 =	sld [smem:$0x3F9D]  }
0x1a: {  	s8 =	sadd.s32 $0xFFFFE003, lr  }
0x1b: {  	s9 =	sadd.s32 $0xFFFFFEF7, lr;
	s5 =	simm.s32 $0xFFFFFFFF;
	p2 =	slt.u32 s8, $0xFFFFF086  }
0x1c: {  	p1 =	slt.u32 s9, $0xF7A;
	s5 =	simm.s32 @!p2 $0x0  }
0x1d: {  	s5 =	simm.s32 @p1 $0x1;
	p0 =	seq.s32 s7, s2  }
0x1e: {  	s7 =	smul.u32 @!p0 $0xF7A, s2;
	p2 =	seq.s32 @!p0 s5, $0x0  }
0x1f: {  	s9 =	smul.u32 $0xF7A, s1;
	s8 =	simm.s32 @!p0 $0x1BF5;
	p2 =	por !p2, p0  }
0x20: {  	[sflag:s8] =	ssyncset.s32 @!p0 $0xFFFFF086;
	s6 =	sadd.s32 @!p0 s3, s7;
	s7 =	simm.s32 @!p0 $0x108  }
0x21: {  	s3 =	sadd.s32 s3, s9;
	s6 =	sadd.s32 @!p0 $0x88, s6;
	s7 =	simm.s32 @p2 $0x1082  }
0x22: {  	[simem:s7], [sflag:s8] =	dma.local @!p0 [hbm:s6], $0xF7A  }
0x23: {  	s9 =	sor.u32 $0xD0000000, s2;
	s6 =	simm.s32 $0x108;
	_ =	swait.ge @!p0 [sflag:s8], $0x0  }
0x24: {  	s3 =	sadd.s32 $0x88, s3;
	s6 =	simm.s32 @!p1 $0x1082;
	[sflag:s4] =	ssyncset.s32 $0xFFFFF086  }
0x25: {  	[simem:s6], [sflag:s4] =	dma.local [hbm:s3], $0xF7A  }
0x26: {  	[smem:$0x3F9D] =	sst s1;
	(tag) =	ssettag s2;
	_ =	strace s9  }
0x27: {  	s1 =	sld [smem:$0x3FAD]  }
0x28: {  	s2 =	sld [smem:$0x3FAE]  }
0x29: {  	s4 =	sld [smem:$0x3FB0]  }
0x2a: {  	p0 =	seq.s32 s5, $0x0;
	s5 =	sld [smem:$0x3FB1]  }
0x2b: {  	s6 =	sld [smem:$0x3FB2]  }
0x2c: {  	s7 =	sld [smem:$0x3FB3]  }
0x2d: {  	s3 =	simm.s32 $0x108;
	s8 =	sld [smem:$0x3FB4]  }
0x2e: {  	s3 =	simm.s32 @!p0 $0x1082;
	s9 =	sld [smem:$0x3FB5]  }
0x2f: {  	lr =	sadd.s32 s0, s3;
	s0 =	sld [smem:$0x3FAC]  }
0x30: {  	s3 =	sld [smem:$0x3FAF]  }
0x31: {  	[smem:$0x3FB8] =	sst s10  }
0x32: {  	s10 =	sld [smem:$0x3FB6];
	_ =	sdelay $0x3  }
0x33: {  	p0 =	seq.s32 s10, $0x1;
	s10 =	sld [smem:$0x3FB8];
	_ =	sdelay $0x3  }
0x34: {  	[smem:$0x3FB8] =	sst s10  }
0x35: {  	s10 =	sld [smem:$0x3FB7];
	_ =	sdelay $0x3  }
0x36: {  	p1 =	seq.s32 s10, $0x1;
	s10 =	sld [smem:$0x3FB8];
	_ =	sdelay $0x3  }
0x37: {  	[smem:$0x3FB8] =	sst s10  }
0x38: {  	s10 =	sld [smem:$0x3FB9]  }
0x39: {  	_ = 	snop;
	(pc) =	sbr.ind lr, $3  }
0x3a: {  	_ = 	snop  }
0x3b: {  	_ = 	snop  }
0x3c: {  	p2 =	seq.s32 s10, $0x1;
	s10 =	sld [smem:$0x3FB8]  }
0x3d: {  	_ =	shalt  }
0x3e: {  	_ =	shalt  }
0x3f: {  	_ =	shalt  }
0x40: {  	_ =	shalt  }
0x41: {  	_ =	shalt  }
0x42: {  	_ =	shalt  }
0x43: {  	_ =	shalt  }
0x44: {  	_ =	shalt  }
0x45: {  	_ =	shalt  }
0x46: {  	_ =	shalt  }
0x47: {  	_ =	shalt  }
0x48: {  	_ =	shalt  }
0x49: {  	_ =	shalt  }
0x4a: {  	_ =	shalt  }
0x4b: {  	_ =	shalt  }
0x4c: {  	_ =	shalt  }
0x4d: {  	_ =	shalt  }
0x4e: {  	_ =	shalt  }
0x4f: {  	_ =	shalt  }
0x50: {  	_ =	shalt  }
0x51: {  	_ =	shalt  }
0x52: {  	_ =	shalt  }
0x53: {  	_ =	shalt  }
0x54: {  	_ =	shalt  }
0x55: {  	_ =	shalt  }
0x56: {  	_ =	shalt  }
0x57: {  	_ =	shalt  }
0x58: {  	_ =	shalt  }
0x59: {  	_ =	shalt  }
0x5a: {  	_ =	shalt  }
0x5b: {  	_ =	shalt  }
0x5c: {  	_ =	shalt  }
0x5d: {  	_ =	shalt  }
0x5e: {  	_ =	shalt  }
0x5f: {  	_ =	shalt  }
0x60: {  	_ =	shalt  }
0x61: {  	_ =	shalt  }
0x62: {  	_ =	shalt  }
0x63: {  	_ =	shalt  }
0x64: {  	_ =	shalt  }
0x65: {  	_ =	shalt  }
0x66: {  	_ =	shalt  }
0x67: {  	_ =	shalt  }
0x68: {  	_ =	shalt  }
0x69: {  	_ =	shalt  }
0x6a: {  	_ =	shalt  }
0x6b: {  	_ =	shalt  }
0x6c: {  	_ =	shalt  }
0x6d: {  	_ =	shalt  }
0x6e: {  	_ =	shalt  }
0x6f: {  	_ =	shalt  }
0x70: {  	_ =	shalt  }
0x71: {  	_ =	shalt  }
0x72: {  	_ =	shalt  }
0x73: {  	_ =	shalt  }
0x74: {  	_ =	shalt  }
0x75: {  	_ =	shalt  }
0x76: {  	_ =	shalt  }
0x77: {  	_ =	shalt  }
0x78: {  	_ =	shalt  }
0x79: {  	_ =	shalt  }
0x7a: {  	_ =	shalt  }
0x7b: {  	_ =	shalt  }
0x7c: {  	_ =	shalt  }
0x7d: {  	_ =	shalt  }
0x7e: {  	_ =	shalt  }
0x7f: {  	_ =	shalt  }
0x80: {  	_ =	shalt  }
0x81: {  	_ =	shalt  }
0x82: {  	_ =	shalt  }
0x83: {  	_ =	shalt  }
0x84: {  	_ =	shalt  }
0x85: {  	_ =	shalt  }
0x86: {  	_ =	shalt  }
0x87: {  	_ =	shalt  }
.Lfunc_end0:
.L_simem_size_0:
called_computation_lowered:
.L_overlay_start_0:
0x88: {  	s2 =	sld [smem:$0x3FD9]  }
0x89: {  	s3 =	sld [smem:$0x3FFE];
	_ =	sdelay $0x1  }
0x8a: {  	s1 =	srdreg.scid  }
0x8b: {  	s0 =	sand.u32 $0x1, s1  }
0x8c: {  	s16 =	sshll.u32 s0, $0xA;
	s2 =	sadd.s32 s3, s2  }
0x8d: {  	s2 =	sadd.s32 s2, s16  }
0x8e: {  	[smem:$0x3FC4] =	sst s2  }
0x8f: {  	_ = 	snop  }
0x90: {  	(tm) =	ssettm $0x1  }
0x91: {  	s17 =	sld [smem:$0x3FFB];
	_ =	sdelay $0x3  }
0x92: {  	_ =	strace s17  }
0x93: {  	s2 =	sld [smem:$0x3FFC];
	_ =	sdelay $0x3  }
0x94: {  	_ =	strace s2  }
0x95: {  	s2 =	sld [smem:$0x3FFD];
	_ =	sdelay $0x3  }
0x96: {  	_ =	strace s2  }
0x97: {  	_ =	strace $0x8FFFFFFF  }
0x98: {  	s18 =	sld [smem:$0x3FDB];
	_ =	sdelay $0x1  }
0x99: {  	s19 =	simm.s32 $_scs_section_size  }
0x9a: {  	s4 =	simm.s32 $_size__tile_overlayer_lowered;
	s5 =	simm.s32 $_tile_overlayer_lowered  }
0x9b: {  	s22 =	simm.s32 $0x1BFF;
	s21 =	sshll.u32 s5, $0x1;
	s2 =	sadd.s32 s19, s18  }
0x9c: {  	s6 =	simm.s32 $0x0;
	s20 =	sshll.u32 s4, $0x1;
	s4 =	sadd.s32 s21, s2  }
0x9d: {  	[timem:s6], [sflag:s22] =	dma.local [hbm:s4], s20  }
0x9e: {  	_ =	swait.ge [sflag:s22], s20  }
0x9f: {  	s3 =	ssub.s32 $0x0, s20;
	[sflag:s22] =	ssyncset.done $0x0  }
0xa0: {  	[sflag:s22] =	ssyncadd.s32 s3;
	_ =	sdelay $0x1  }
0xa1: {  	s23 =	simm.s32 $0x1B8B  }
0xa2: {  	_ =	swait.ge [sflag:s23], $0x1  }
0xa3: {  	[sflag:s23] =	ssyncset.done $0x0  }
0xa4: {  	s25 =	simm.s32 $0x1B8E;
	s24 =	sld [smem:$0x3FFE];
	[sflag:s23] =	ssyncadd.s32 $0xFFFFFFFF  }
0xa5: {  	s26 =	simm.s32 $execute0_lowered;
	[smem:$0x3FD2] =	sst s25  }
0xa6: {  	s4 =	sshll.u32 s26, $0x1;
	_ =	strace $0x80000046;
	[dreg:$0x1] =	wrdreg $0xFFFFFFFF  }
0xa7: {  	s28 =	simm.s32 $_size_execute0_lowered;
	s2 =	sadd.s32 s2, s4;
	[dreg:$0x0] =	wrdreg $0x0  }
0xa8: {  	s4 =	sshll.u32 s28, $0x1;
	[dreg:$0x2] =	wrdreg s2  }
0xa9: {  	[dreg:$0x3] =	wrdreg s4  }
0xaa: {  	[dreg:$0x4] =	wrdreg $0xC0  }
0xab: {  	_ =	task [dreg:s6], $0x5FFFF  }
0xac: {  	[dreg:$0x1] =	wrdreg $0xFFFFFFFF  }
0xad: {  	[dreg:$0x0] =	wrdreg $0x60  }
0xae: {  	[dreg:$0x2] =	wrdreg s24  }
0xaf: {  	[dreg:$0x3] =	wrdreg $0x9  }
0xb0: {  	_ =	task.clear_ibuf [dreg:s6], $0x4FFFF;
	_ =	strace $0x90000046  }
0xb1: {  	s29 =	simm.s32 $0x9;
	_ =	strace $0x80000048  }
0xb2: {  	_ =	swait.ge [sflag:s29], $0x1  }
0xb3: {  	[sflag:s29] =	ssyncadd.s32 $0xFFFFFFFF  }
0xb4: {  	_ =	strace $0x90000048  }
0xb5: {  	_ =	sfence  }
0xb6: {  	s30 =	sld [smem:$0x0];
	_ =	sdelay $0x2  }
0xb7: {  	s31 =	sshll.u32 s1, $0xD;
	s1 =	sshrl.u32 s1, $0x2  }
0xb8: {  	s3 =	sand.u32 $0x4000, s31;
	s1 =	sadd.s32 s1, s30  }
0xb9: {  	s0 =	sor.u32 s3, s0;
	s1 =	sshll.u32 s1, $0x11  }
0xba: {  	s0 =	sor.u32 s1, s0  }
0xbb: {  	s0 =	sadd.s32 $0x8F2B, s0  }
0xbc: {  	[sflag:s0] =	ssyncadd.remote.s32 $0x1  }
0xbd: {  	_ =	sfence.sel $0xFFFF  }
0xbe: {  	[dreg:$0x0] =	wrdreg $0xFFFFFFFF;
	(pc) =	sbr.abs _section_cstart, $3  }
0xbf: {  	[dreg:$0x1] =	wrdreg $0xFFFFFFFF  }
0xc0: {  	_ =	task.clear_ibuf [dreg:s6], $0x2FFFF;
	_ =	strace $0x9FFFFFFF  }
0xc1: {  	(tm) =	ssettm $0x7FFFFFFF  }
tec
execute0_lowered:
.L_overlay_start_1:
0x0: {  	(tag) =	ssettag $0x1  }
0x1: {  	s0 =	rddreg [dreg:$0x0];
	s1 =	srdreg.scid  }
0x2: {  	s19 =	rddreg [dreg:$0x1];
	s3 =	stileid.u32  }
0x3: {  	s2 =	simm.s32 $0x0;
	s16 =	simm.s32 $0x200;
	s13 =	simm.s32 $0x400  }
0x4: {  	s15 =	simm.s32 $0x2;
	s14 =	simm.s32 $0x80;
	s9 =	simm.s32 $0x780  }
0x5: {  	s10 =	simm.s32 $0x980;
	s17 =	simm.s32 $0xA80;
	s28 =	simm.s32 $0x1080  }
0x6: {  	p0 =	por $0x0, $0x0;
	s29 =	simm.s32 $0xF00;
	s30 =	simm.s32 $0x1100  }
0x7: {  	s31 =	simm.s32 $0xF80;
	s1 =	sand.u32 $0x1, s1;
	s3 =	sshll.u32 s3, $0x7  }
0x8: {  	[smem:$0x7FF] =	sst s2;
	s5 =	sadd.s32 $0x3DC00, s0;
	s8 =	sadd.s32 $0x3F400, s0  }
0x9: {  	s4 =	sshll.u32 s1, $0x6;
	_ =	strace $0x80000047;
	[dreg:$0xe] =	wrdreg s9  }
0xa: {  	s11 =	sadd.s32 $0xA00, s0;
	[dreg:$0xf] =	wrdreg s10;
	s3 =	sor.u32 s4, s3  }
0xb: {  	[dreg:$0x10] =	wrdreg s17;
	s4 =	sadd.s32 s5, s3;
	s6 =	sor.u32 $0x800, s3  }
0xc: {  	s7 =	sor.u32 $0x1000, s3;
	[dreg:$0x2] =	wrdreg s4;
	s18 =	sadd.s32 s5, s6  }
0xd: {  	s12 =	sadd.s32 $0x1F248, s0;
	s20 =	sadd.s32 s5, s7;
	[dreg:$0x3] =	wrdreg s18  }
0xe: {  	s1 =	ssub.s32 $0x2, s1;
	s21 =	sadd.s32 s8, s6;
	[dreg:$0x4] =	wrdreg s20  }
0xf: {  	s3 =	sadd.s32 s8, s3;
	s22 =	sadd.s32 s8, s7;
	[dreg:$0x5] =	wrdreg s21  }
0x10: {  	s9 =	simm.s32 $0xE00;
	s23 =	sadd.s32 $0x1800, s3;
	[dreg:$0x6] =	wrdreg s22  }
0x11: {  	s10 =	simm.s32 $0x1000;
	s24 =	sadd.s32 $0x2000, s3;
	[dreg:$0x7] =	wrdreg s23  }
0x12: {  	s17 =	simm.s32 $0x480;
	s26 =	sadd.s32 $0x2800, s3;
	[dreg:$0x8] =	wrdreg s24  }
0x13: {  	s25 =	sshrl.u32 s1, $0x1;
	s5 =	simm.s32 $0x680;
	[dreg:$0x9] =	wrdreg s26  }
0x14: {  	s1 =	ssub.s32 s1, s25;
	s6 =	simm.s32 $0x880;
	[dreg:$0xa] =	wrdreg s5  }
0x15: {  	s25 =	simm.s32 $0x180;
	s7 =	simm.s32 $0x700;
	[dreg:$0xb] =	wrdreg s6  }
0x16: {  	s0 =	smax.u32 s1, $0x1;
	s8 =	simm.s32 $0x900;
	[dreg:$0xc] =	wrdreg s7  }
0x17: {  	s4 =	simm.s32 $0x600;
	[dreg:$0xd] =	wrdreg s8;
	s5 =	simm.s32 $0x800  }
0x18: {  	s24 =	simm.s32 $0x100;
	s18 =	simm.s32 $0xC80;
	s6 =	simm.s32 $0xA00  }
0x19: {  	s20 =	simm.s32 $0xB00;
	s7 =	simm.s32 $0xC00;
	s1 =	rddreg [dreg:$0x2]  }
0x1a: {  	s21 =	simm.s32 $0xD00;
	p1 =	sne.s32 s0, $0x1;
	[dreg:$0x11] =	wrdreg s18  }
.Ltmp0:
0x1b: {  	s23 =	simm.s32 $0x280;
	[dreg:$0x12] =	wrdreg s20;
	(pc) =	sbr.rel @!p1 .LBB2_1-.Ltmp0, $4  }
0x1c: {  	s22 =	simm.s32 $0xB80;
	s26 =	simm.s32 $0xD80;
	[dreg:$0x13] =	wrdreg s21  }
0x1d: {  	s0 =	sadd.s32 $0xFFFFFFFF, s0;
	s8 =	simm.s32 $0x1;
	[dreg:$0x14] =	wrdreg s22  }
0x1e: {  	s21 =	simm.s32 $0x300;
	s22 =	simm.s32 $0x380;
	[dreg:$0x15] =	wrdreg s26  }
0x1f: {  	s18 =	simm.s32 $0x500;
	s26 =	simm.s32 $0x580;
	s20 =	simm.s32 $0x1180  }
0x20: {  	[tilespmem:s2], [sflag:$0x2] =	stream.linear.gather [hbm4b:s1+s2], $0x200, $0x38;
	[tilespmem:$0x1200] =	vst v63  }
0x21: {  	s19 =	smov.u32 s0;
	s0 =	rddreg [dreg:$0x3]  }
0x22: {  	[tilespmem:s16], [sflag:$0x2] =	stream.linear.gather [hbm4b:s0+s2], $0x200, $0x38;
	[tilespmem:$0x1200] =	vst v63  }
0x23: {  	s1 =	rddreg [dreg:$0x4]  }
0x24: {  	[tilespmem:s13], [sflag:$0x2] =	stream.linear.gather [hbm4b:s1+s2], $0x200, $0x38;
	[tilespmem:$0x1200] =	vst v63  }
0x25: {  	_ =	swait.ge [sflag:s15], $0x200  }
0x26: {  	[sflag:s15] =	ssyncset.done $0x0  }
0x27: {  	[sflag:s15] =	ssyncadd.s32 $0xFFFFFE00  }
0x28: {  	[tilespmem:s4], [sflag:$0x1] =	stream.indirect.gather [hbm4b:s11+s14], $0x1, s2, s14, $0xb8;
	[tilespmem:$0x1200] =	vst v63  }
0x29: {  	_ = 	snop  }
0x2a: {  	[tilespmem:s5], [sflag:$0x1] =	stream.indirect.gather [hbm4b:s12+s14], $0x1, s2, s14, $0xb8;
	[tilespmem:$0x1200] =	vst v63  }
0x2b: {  	s0 =	rddreg [dreg:$0xa]  }
0x2c: {  	[tilespmem:s0], [sflag:$0x1] =	stream.indirect.gather [hbm4b:s11+s14], $0x1, s14, s14, $0xb8;
	[tilespmem:$0x1200] =	vst v63  }
0x2d: {  	s1 =	rddreg [dreg:$0xb]  }
0x2e: {  	[tilespmem:s1], [sflag:$0x1] =	stream.indirect.gather [hbm4b:s12+s14], $0x1, s14, s14, $0xb8;
	[tilespmem:$0x1200] =	vst v63  }
0x2f: {  	s0 =	rddreg [dreg:$0xc]  }
0x30: {  	[tilespmem:s0], [sflag:$0x1] =	stream.indirect.gather [hbm4b:s11+s14], $0x1, s24, s14, $0xb8;
	[tilespmem:$0x1200] =	vst v63  }
0x31: {  	s1 =	rddreg [dreg:$0xd]  }
0x32: {  	[tilespmem:s1], [sflag:$0x1] =	stream.indirect.gather [hbm4b:s12+s14], $0x1, s24, s14, $0xb8;
	[tilespmem:$0x1200] =	vst v63  }
0x33: {  	s0 =	rddreg [dreg:$0xe]  }
0x34: {  	[tilespmem:s0], [sflag:$0x1] =	stream.indirect.gather [hbm4b:s11+s14], $0x1, s25, s14, $0xb8;
	[tilespmem:$0x1200] =	vst v63  }
0x35: {  	s1 =	rddreg [dreg:$0xf]  }
0x36: {  	[tilespmem:s1], [sflag:$0x1] =	stream.indirect.gather [hbm4b:s12+s14], $0x1, s25, s14, $0xb8;
	[tilespmem:$0x1200] =	vst v63  }
0x37: {  	_ =	swait.ge [sflag:s15], $0x200  }
0x38: {  	[sflag:s15] =	ssyncset.done $0x0  }
0x39: {  	[sflag:s15] =	ssyncadd.s32 $0xFFFFFE00  }
0x3a: {  	[tilespmem:s6], [sflag:$0x1] =	stream.indirect.gather [hbm4b:s11+s14], $0x1, s16, s14, $0xb8;
	[tilespmem:$0x1200] =	vst v63  }
0x3b: {  	_ = 	snop  }
0x3c: {  	[tilespmem:s7], [sflag:$0x1] =	stream.indirect.gather [hbm4b:s12+s14], $0x1, s16, s14, $0xb8;
	[tilespmem:$0x1200] =	vst v63  }
0x3d: {  	s0 =	rddreg [dreg:$0x10]  }
0x3e: {  	[tilespmem:s0], [sflag:$0x1] =	stream.indirect.gather [hbm4b:s11+s14], $0x1, s23, s14, $0xb8;
	[tilespmem:$0x1200] =	vst v63  }
0x3f: {  	s1 =	rddreg [dreg:$0x11]  }
0x40: {  	[tilespmem:s1], [sflag:$0x1] =	stream.indirect.gather [hbm4b:s12+s14], $0x1, s23, s14, $0xb8;
	[tilespmem:$0x1200] =	vst v63  }
0x41: {  	s0 =	rddreg [dreg:$0x12]  }
0x42: {  	[tilespmem:s0], [sflag:$0x1] =	stream.indirect.gather [hbm4b:s11+s14], $0x1, s21, s14, $0xb8;
	[tilespmem:$0x1200] =	vst v63  }
0x43: {  	s1 =	rddreg [dreg:$0x13]  }
0x44: {  	[tilespmem:s1], [sflag:$0x1] =	stream.indirect.gather [hbm4b:s12+s14], $0x1, s21, s14, $0xb8;
	[tilespmem:$0x1200] =	vst v63  }
0x45: {  	s0 =	rddreg [dreg:$0x14]  }
0x46: {  	[tilespmem:s0], [sflag:$0x1] =	stream.indirect.gather [hbm4b:s11+s14], $0x1, s22, s14, $0xb8;
	[tilespmem:$0x1200] =	vst v63  }
0x47: {  	s1 =	rddreg [dreg:$0x15]  }
0x48: {  	[tilespmem:s1], [sflag:$0x1] =	stream.indirect.gather [hbm4b:s12+s14], $0x1, s22, s14, $0xb8;
	[tilespmem:$0x1200] =	vst v63  }
0x49: {  	_ =	swait.ge [sflag:s15], $0x200  }
0x4a: {  	[sflag:s15] =	ssyncset.done $0x0  }
0x4b: {  	[sflag:s15] =	ssyncadd.s32 $0xFFFFFE00  }
0x4c: {  	[tilespmem:s9], [sflag:$0x1] =	stream.indirect.gather [hbm4b:s11+s14], $0x1, s13, s14, $0xb8;
	[tilespmem:$0x1200] =	vst v63  }
0x4d: {  	_ = 	snop  }
0x4e: {  	[tilespmem:s10], [sflag:$0x1] =	stream.indirect.gather [hbm4b:s12+s14], $0x1, s13, s14, $0xb8;
	[tilespmem:$0x1200] =	vst v63  }
0x4f: {  	s1 =	simm.s32 $0xE80  }
0x50: {  	[tilespmem:s1], [sflag:$0x1] =	stream.indirect.gather [hbm4b:s11+s14], $0x1, s17, s14, $0xb8;
	[tilespmem:$0x1200] =	vst v63  }
0x51: {  	_ = 	snop  }
0x52: {  	[tilespmem:s28], [sflag:$0x1] =	stream.indirect.gather [hbm4b:s12+s14], $0x1, s17, s14, $0xb8;
	[tilespmem:$0x1200] =	vst v63  }
0x53: {  	_ = 	snop  }
0x54: {  	[tilespmem:s29], [sflag:$0x1] =	stream.indirect.gather [hbm4b:s11+s14], $0x1, s18, s14, $0xb8;
	[tilespmem:$0x1200] =	vst v63  }
0x55: {  	_ = 	snop  }
0x56: {  	[tilespmem:s30], [sflag:$0x1] =	stream.indirect.gather [hbm4b:s12+s14], $0x1, s18, s14, $0xb8;
	[tilespmem:$0x1200] =	vst v63  }
0x57: {  	_ = 	snop  }
0x58: {  	[tilespmem:s31], [sflag:$0x1] =	stream.indirect.gather [hbm4b:s11+s14], $0x1, s26, s14, $0xb8;
	[tilespmem:$0x1200] =	vst v63  }
0x59: {  	_ = 	snop  }
0x5a: {  	[tilespmem:s20], [sflag:$0x1] =	stream.indirect.gather [hbm4b:s12+s14], $0x1, s26, s14, $0xb8;
	[tilespmem:$0x1200] =	vst v63  }
0x5b: {  	_ =	swait.ge [sflag:s8], $0x80  }
0x5c: {  	[sflag:s8] =	ssyncset.done $0x0  }
0x5d: {  	[sflag:s8] =	ssyncadd.s32 $0xFFFFFF80  }
0x5e: {  	_ =	swait.ge [sflag:s8], $0x80  }
0x5f: {  	[sflag:s8] =	ssyncset.done $0x0  }
0x60: {  	[sflag:s8] =	ssyncadd.s32 $0xFFFFFF80  }
0x61: {  	_ =	swait.ge [sflag:s8], $0x80  }
0x62: {  	[sflag:s8] =	ssyncset.done $0x0  }
0x63: {  	[sflag:s8] =	ssyncadd.s32 $0xFFFFFF80  }
0x64: {  	_ =	swait.ge [sflag:s8], $0x80  }
0x65: {  	[sflag:s8] =	ssyncset.done $0x0  }
0x66: {  	[sflag:s8] =	ssyncadd.s32 $0xFFFFFF80  }
0x67: {  	_ =	swait.ge [sflag:s8], $0x80  }
0x68: {  	[sflag:s8] =	ssyncset.done $0x0  }
0x69: {  	[sflag:s8] =	ssyncadd.s32 $0xFFFFFF80  }
0x6a: {  	_ =	swait.ge [sflag:s8], $0x80  }
0x6b: {  	[sflag:s8] =	ssyncset.done $0x0  }
0x6c: {  	[sflag:s8] =	ssyncadd.s32 $0xFFFFFF80  }
0x6d: {  	_ =	swait.ge [sflag:s8], $0x80  }
0x6e: {  	[sflag:s8] =	ssyncset.done $0x0  }
0x6f: {  	[sflag:s8] =	ssyncadd.s32 $0xFFFFFF80  }
0x70: {  	_ =	swait.ge [sflag:s8], $0x80  }
0x71: {  	[sflag:s8] =	ssyncset.done $0x0  }
0x72: {  	[sflag:s8] =	ssyncadd.s32 $0xFFFFFF80  }
0x73: {  	_ =	swait.ge [sflag:s8], $0x80  }
0x74: {  	[sflag:s8] =	ssyncset.done $0x0  }
0x75: {  	[sflag:s8] =	ssyncadd.s32 $0xFFFFFF80  }
0x76: {  	_ =	swait.ge [sflag:s8], $0x80  }
0x77: {  	[sflag:s8] =	ssyncset.done $0x0  }
0x78: {  	[sflag:s8] =	ssyncadd.s32 $0xFFFFFF80  }
0x79: {  	_ =	swait.ge [sflag:s8], $0x80  }
0x7a: {  	[sflag:s8] =	ssyncset.done $0x0  }
0x7b: {  	[sflag:s8] =	ssyncadd.s32 $0xFFFFFF80  }
0x7c: {  	_ =	swait.ge [sflag:s8], $0x80  }
0x7d: {  	[sflag:s8] =	ssyncset.done $0x0  }
0x7e: {  	[sflag:s8] =	ssyncadd.s32 $0xFFFFFF80  }
0x7f: {  	_ =	swait.ge [sflag:s8], $0x80  }
0x80: {  	[sflag:s8] =	ssyncset.done $0x0  }
0x81: {  	[sflag:s8] =	ssyncadd.s32 $0xFFFFFF80  }
0x82: {  	_ =	swait.ge [sflag:s8], $0x80  }
0x83: {  	[sflag:s8] =	ssyncset.done $0x0  }
0x84: {  	[sflag:s8] =	ssyncadd.s32 $0xFFFFFF80  }
0x85: {  	_ =	swait.ge [sflag:s8], $0x80  }
0x86: {  	[sflag:s8] =	ssyncset.done $0x0  }
0x87: {  	[sflag:s8] =	ssyncadd.s32 $0xFFFFFF80  }
0x88: {  	_ =	swait.ge [sflag:s8], $0x80  }
0x89: {  	[sflag:s8] =	ssyncset.done $0x0  }
0x8a: {  	[sflag:s8] =	ssyncadd.s32 $0xFFFFFF80  }
0x8b: {  	_ =	swait.ge [sflag:s8], $0x80  }
0x8c: {  	[sflag:s8] =	ssyncset.done $0x0  }
0x8d: {  	[sflag:s8] =	ssyncadd.s32 $0xFFFFFF80  }
0x8e: {  	_ =	swait.ge [sflag:s8], $0x80  }
0x8f: {  	[sflag:s8] =	ssyncset.done $0x0  }
0x90: {  	[sflag:s8] =	ssyncadd.s32 $0xFFFFFF80  }
0x91: {  	_ =	swait.ge [sflag:s8], $0x80  }
0x92: {  	[sflag:s8] =	ssyncset.done $0x0  }
0x93: {  	[sflag:s8] =	ssyncadd.s32 $0xFFFFFF80  }
0x94: {  	_ =	swait.ge [sflag:s8], $0x80  }
0x95: {  	[sflag:s8] =	ssyncset.done $0x0  }
0x96: {  	[sflag:s8] =	ssyncadd.s32 $0xFFFFFF80  }
0x97: {  	_ =	swait.ge [sflag:s8], $0x80  }
0x98: {  	[sflag:s8] =	ssyncset.done $0x0  }
0x99: {  	[sflag:s8] =	ssyncadd.s32 $0xFFFFFF80  }
0x9a: {  	_ =	swait.ge [sflag:s8], $0x80  }
0x9b: {  	[sflag:s8] =	ssyncset.done $0x0  }
0x9c: {  	[sflag:s8] =	ssyncadd.s32 $0xFFFFFF80  }
0x9d: {  	_ =	swait.ge [sflag:s8], $0x80  }
0x9e: {  	[sflag:s8] =	ssyncset.done $0x0  }
0x9f: {  	[sflag:s8] =	ssyncadd.s32 $0xFFFFFF80  }
0xa0: {  	_ =	swait.ge [sflag:s8], $0x80  }
0xa1: {  	[sflag:s8] =	ssyncset.done $0x0  }
0xa2: {  	[sflag:s8] =	ssyncadd.s32 $0xFFFFFF80  }
0xa3: {  	[hbm4b:s3+s2] =	stream.linear.scatter [tilespmem:s4], [sflag:$0x1], $0x200, $0x38;
	[tilespmem:$0x1200] =	vst v63  }
0xa4: {  	s0 =	rddreg [dreg:$0x5]  }
0xa5: {  	[hbm4b:s0+s2] =	stream.linear.scatter [tilespmem:s5], [sflag:$0x1], $0x200, $0x38;
	[tilespmem:$0x1200] =	vst v63  }
0xa6: {  	s1 =	rddreg [dreg:$0x6]  }
0xa7: {  	[hbm4b:s1+s2] =	stream.linear.scatter [tilespmem:s6], [sflag:$0x1], $0x200, $0x38;
	[tilespmem:$0x1200] =	vst v63  }
0xa8: {  	s0 =	rddreg [dreg:$0x7]  }
0xa9: {  	[hbm4b:s0+s2] =	stream.linear.scatter [tilespmem:s7], [sflag:$0x1], $0x200, $0x38;
	[tilespmem:$0x1200] =	vst v63  }
0xaa: {  	s1 =	rddreg [dreg:$0x8]  }
0xab: {  	[hbm4b:s1+s2] =	stream.linear.scatter [tilespmem:s9], [sflag:$0x1], $0x200, $0x38;
	[tilespmem:$0x1200] =	vst v63  }
0xac: {  	s0 =	rddreg [dreg:$0x9]  }
0xad: {  	[hbm4b:s0+s2] =	stream.linear.scatter [tilespmem:s10], [sflag:$0x1], $0x200, $0x38;
	[tilespmem:$0x1200] =	vst v63  }
0xae: {  	_ =	swait.ge [sflag:s8], $0x200  }
0xaf: {  	[sflag:s8] =	ssyncset.done $0x0  }
0xb0: {  	[sflag:s8] =	ssyncadd.s32 $0xFFFFFE00  }
0xb1: {  	_ =	swait.ge [sflag:s8], $0x200  }
0xb2: {  	[sflag:s8] =	ssyncset.done $0x0  }
0xb3: {  	[sflag:s8] =	ssyncadd.s32 $0xFFFFFE00  }
0xb4: {  	_ =	swait.ge [sflag:s8], $0x200  }
0xb5: {  	[sflag:s8] =	ssyncset.done $0x0  }
0xb6: {  	[sflag:s8] =	ssyncadd.s32 $0xFFFFFE00  }
0xb7: {  	_ =	swait.ge [sflag:s8], $0x200  }
0xb8: {  	[sflag:s8] =	ssyncset.done $0x0  }
0xb9: {  	p1 =	sne.s32 s19, $0x1;
	[sflag:s8] =	ssyncadd.s32 $0xFFFFFE00  }
.Ltmp1:
0xba: {  	_ =	swait.ge [sflag:s8], $0x200;
	(pc) =	sbr.rel @!p1 .LBB2_3-.Ltmp1, $4  }
0xbb: {  	[sflag:s8] =	ssyncset.done $0x0  }
0xbc: {  	[sflag:s8] =	ssyncadd.s32 $0xFFFFFE00  }
0xbd: {  	p0 =	por $0x1, $0x1;
	_ =	swait.ge [sflag:s8], $0x200  }
0xbe: {  	s0 =	sadd.s32 $0xFFFFFFFF, s19;
	s1 =	rddreg [dreg:$0x2];
	[sflag:s8] =	ssyncset.done $0x0  }
.LBB2_4:
0xbf: {  	[sflag:s8] =	ssyncadd.s32 $0xFFFFFE00  }
0xc0: {  	[tilespmem:s2], [sflag:$0x2] =	stream.linear.gather [hbm4b:s1+s2], $0x200, $0x38;
	[tilespmem:$0x1200] =	vst v63  }
0xc1: {  	s19 =	rddreg [dreg:$0x3]  }
0xc2: {  	[tilespmem:s16], [sflag:$0x2] =	stream.linear.gather [hbm4b:s19+s2], $0x200, $0x38;
	[tilespmem:$0x1200] =	vst v63  }
0xc3: {  	s1 =	rddreg [dreg:$0x4]  }
0xc4: {  	[tilespmem:s13], [sflag:$0x2] =	stream.linear.gather [hbm4b:s1+s2], $0x200, $0x38;
	[tilespmem:$0x1200] =	vst v63  }
0xc5: {  	_ =	swait.ge [sflag:s15], $0x200  }
0xc6: {  	[sflag:s15] =	ssyncset.done $0x0  }
0xc7: {  	[sflag:s15] =	ssyncadd.s32 $0xFFFFFE00  }
0xc8: {  	[tilespmem:s4], [sflag:$0x1] =	stream.indirect.gather [hbm4b:s11+s14], $0x1, s2, s14, $0xb8;
	[tilespmem:$0x1200] =	vst v63  }
0xc9: {  	_ = 	snop  }
0xca: {  	[tilespmem:s5], [sflag:$0x1] =	stream.indirect.gather [hbm4b:s12+s14], $0x1, s2, s14, $0xb8;
	[tilespmem:$0x1200] =	vst v63  }
0xcb: {  	s1 =	rddreg [dreg:$0xa]  }
0xcc: {  	[tilespmem:s1], [sflag:$0x1] =	stream.indirect.gather [hbm4b:s11+s14], $0x1, s14, s14, $0xb8;
	[tilespmem:$0x1200] =	vst v63  }
0xcd: {  	s19 =	rddreg [dreg:$0xb]  }
0xce: {  	[tilespmem:s19], [sflag:$0x1] =	stream.indirect.gather [hbm4b:s12+s14], $0x1, s14, s14, $0xb8;
	[tilespmem:$0x1200] =	vst v63  }
0xcf: {  	s1 =	rddreg [dreg:$0xc]  }
0xd0: {  	[tilespmem:s1], [sflag:$0x1] =	stream.indirect.gather [hbm4b:s11+s14], $0x1, s24, s14, $0xb8;
	[tilespmem:$0x1200] =	vst v63  }
0xd1: {  	s19 =	rddreg [dreg:$0xd]  }
0xd2: {  	[tilespmem:s19], [sflag:$0x1] =	stream.indirect.gather [hbm4b:s12+s14], $0x1, s24, s14, $0xb8;
	[tilespmem:$0x1200] =	vst v63  }
0xd3: {  	s1 =	rddreg [dreg:$0xe]  }
0xd4: {  	[tilespmem:s1], [sflag:$0x1] =	stream.indirect.gather [hbm4b:s11+s14], $0x1, s25, s14, $0xb8;
	[tilespmem:$0x1200] =	vst v63  }
0xd5: {  	s19 =	rddreg [dreg:$0xf]  }
0xd6: {  	[tilespmem:s19], [sflag:$0x1] =	stream.indirect.gather [hbm4b:s12+s14], $0x1, s25, s14, $0xb8;
	[tilespmem:$0x1200] =	vst v63  }
0xd7: {  	_ =	swait.ge [sflag:s15], $0x200  }
0xd8: {  	[sflag:s15] =	ssyncset.done $0x0  }
0xd9: {  	[sflag:s15] =	ssyncadd.s32 $0xFFFFFE00  }
0xda: {  	[tilespmem:s6], [sflag:$0x1] =	stream.indirect.gather [hbm4b:s11+s14], $0x1, s16, s14, $0xb8;
	[tilespmem:$0x1200] =	vst v63  }
0xdb: {  	_ = 	snop  }
0xdc: {  	[tilespmem:s7], [sflag:$0x1] =	stream.indirect.gather [hbm4b:s12+s14], $0x1, s16, s14, $0xb8;
	[tilespmem:$0x1200] =	vst v63  }
0xdd: {  	s1 =	rddreg [dreg:$0x10]  }
0xde: {  	[tilespmem:s1], [sflag:$0x1] =	stream.indirect.gather [hbm4b:s11+s14], $0x1, s23, s14, $0xb8;
	[tilespmem:$0x1200] =	vst v63  }
0xdf: {  	s19 =	rddreg [dreg:$0x11]  }
0xe0: {  	[tilespmem:s19], [sflag:$0x1] =	stream.indirect.gather [hbm4b:s12+s14], $0x1, s23, s14, $0xb8;
	[tilespmem:$0x1200] =	vst v63  }
0xe1: {  	s1 =	rddreg [dreg:$0x12]  }
0xe2: {  	[tilespmem:s1], [sflag:$0x1] =	stream.indirect.gather [hbm4b:s11+s14], $0x1, s21, s14, $0xb8;
	[tilespmem:$0x1200] =	vst v63  }
0xe3: {  	s19 =	rddreg [dreg:$0x13]  }
0xe4: {  	[tilespmem:s19], [sflag:$0x1] =	stream.indirect.gather [hbm4b:s12+s14], $0x1, s21, s14, $0xb8;
	[tilespmem:$0x1200] =	vst v63  }
0xe5: {  	s1 =	rddreg [dreg:$0x14]  }
0xe6: {  	[tilespmem:s1], [sflag:$0x1] =	stream.indirect.gather [hbm4b:s11+s14], $0x1, s22, s14, $0xb8;
	[tilespmem:$0x1200] =	vst v63  }
0xe7: {  	s19 =	rddreg [dreg:$0x15]  }
0xe8: {  	[tilespmem:s19], [sflag:$0x1] =	stream.indirect.gather [hbm4b:s12+s14], $0x1, s22, s14, $0xb8;
	[tilespmem:$0x1200] =	vst v63  }
0xe9: {  	_ =	swait.ge [sflag:s15], $0x200  }
0xea: {  	[sflag:s15] =	ssyncset.done $0x0  }
0xeb: {  	[sflag:s15] =	ssyncadd.s32 $0xFFFFFE00  }
0xec: {  	[tilespmem:s9], [sflag:$0x1] =	stream.indirect.gather [hbm4b:s11+s14], $0x1, s13, s14, $0xb8;
	[tilespmem:$0x1200] =	vst v63  }
0xed: {  	_ = 	snop  }
0xee: {  	[tilespmem:s10], [sflag:$0x1] =	stream.indirect.gather [hbm4b:s12+s14], $0x1, s13, s14, $0xb8;
	[tilespmem:$0x1200] =	vst v63  }
0xef: {  	s19 =	simm.s32 $0xE80  }
0xf0: {  	[tilespmem:s19], [sflag:$0x1] =	stream.indirect.gather [hbm4b:s11+s14], $0x1, s17, s14, $0xb8;
	[tilespmem:$0x1200] =	vst v63  }
0xf1: {  	_ = 	snop  }
0xf2: {  	[tilespmem:s28], [sflag:$0x1] =	stream.indirect.gather [hbm4b:s12+s14], $0x1, s17, s14, $0xb8;
	[tilespmem:$0x1200] =	vst v63  }
0xf3: {  	_ = 	snop  }
0xf4: {  	[tilespmem:s29], [sflag:$0x1] =	stream.indirect.gather [hbm4b:s11+s14], $0x1, s18, s14, $0xb8;
	[tilespmem:$0x1200] =	vst v63  }
0xf5: {  	_ = 	snop  }
0xf6: {  	[tilespmem:s30], [sflag:$0x1] =	stream.indirect.gather [hbm4b:s12+s14], $0x1, s18, s14, $0xb8;
	[tilespmem:$0x1200] =	vst v63  }
0xf7: {  	_ = 	snop  }
0xf8: {  	[tilespmem:s31], [sflag:$0x1] =	stream.indirect.gather [hbm4b:s11+s14], $0x1, s26, s14, $0xb8;
	[tilespmem:$0x1200] =	vst v63  }
0xf9: {  	_ = 	snop  }
0xfa: {  	[tilespmem:s20], [sflag:$0x1] =	stream.indirect.gather [hbm4b:s12+s14], $0x1, s26, s14, $0xb8;
	[tilespmem:$0x1200] =	vst v63  }
0xfb: {  	_ =	swait.ge [sflag:s8], $0x80  }
0xfc: {  	[sflag:s8] =	ssyncset.done $0x0  }
0xfd: {  	[sflag:s8] =	ssyncadd.s32 $0xFFFFFF80  }
0xfe: {  	_ =	swait.ge [sflag:s8], $0x80  }
0xff: {  	[sflag:s8] =	ssyncset.done $0x0  }
0x100: {  	[sflag:s8] =	ssyncadd.s32 $0xFFFFFF80  }
0x101: {  	_ =	swait.ge [sflag:s8], $0x80  }
0x102: {  	[sflag:s8] =	ssyncset.done $0x0  }
0x103: {  	[sflag:s8] =	ssyncadd.s32 $0xFFFFFF80  }
0x104: {  	_ =	swait.ge [sflag:s8], $0x80  }
0x105: {  	[sflag:s8] =	ssyncset.done $0x0  }
0x106: {  	[sflag:s8] =	ssyncadd.s32 $0xFFFFFF80  }
0x107: {  	_ =	swait.ge [sflag:s8], $0x80  }
0x108: {  	[sflag:s8] =	ssyncset.done $0x0  }
0x109: {  	[sflag:s8] =	ssyncadd.s32 $0xFFFFFF80  }
0x10a: {  	_ =	swait.ge [sflag:s8], $0x80  }
0x10b: {  	[sflag:s8] =	ssyncset.done $0x0  }
0x10c: {  	[sflag:s8] =	ssyncadd.s32 $0xFFFFFF80  }
0x10d: {  	_ =	swait.ge [sflag:s8], $0x80  }
0x10e: {  	[sflag:s8] =	ssyncset.done $0x0  }
0x10f: {  	[sflag:s8] =	ssyncadd.s32 $0xFFFFFF80  }
0x110: {  	_ =	swait.ge [sflag:s8], $0x80  }
0x111: {  	[sflag:s8] =	ssyncset.done $0x0  }
0x112: {  	[sflag:s8] =	ssyncadd.s32 $0xFFFFFF80  }
0x113: {  	_ =	swait.ge [sflag:s8], $0x80  }
0x114: {  	[sflag:s8] =	ssyncset.done $0x0  }
0x115: {  	[sflag:s8] =	ssyncadd.s32 $0xFFFFFF80  }
0x116: {  	_ =	swait.ge [sflag:s8], $0x80  }
0x117: {  	[sflag:s8] =	ssyncset.done $0x0  }
0x118: {  	[sflag:s8] =	ssyncadd.s32 $0xFFFFFF80  }
0x119: {  	_ =	swait.ge [sflag:s8], $0x80  }
0x11a: {  	[sflag:s8] =	ssyncset.done $0x0  }
0x11b: {  	[sflag:s8] =	ssyncadd.s32 $0xFFFFFF80  }
0x11c: {  	_ =	swait.ge [sflag:s8], $0x80  }
0x11d: {  	[sflag:s8] =	ssyncset.done $0x0  }
0x11e: {  	[sflag:s8] =	ssyncadd.s32 $0xFFFFFF80  }
0x11f: {  	_ =	swait.ge [sflag:s8], $0x80  }
0x120: {  	[sflag:s8] =	ssyncset.done $0x0  }
0x121: {  	[sflag:s8] =	ssyncadd.s32 $0xFFFFFF80  }
0x122: {  	_ =	swait.ge [sflag:s8], $0x80  }
0x123: {  	[sflag:s8] =	ssyncset.done $0x0  }
0x124: {  	[sflag:s8] =	ssyncadd.s32 $0xFFFFFF80  }
0x125: {  	_ =	swait.ge [sflag:s8], $0x80  }
0x126: {  	[sflag:s8] =	ssyncset.done $0x0  }
0x127: {  	[sflag:s8] =	ssyncadd.s32 $0xFFFFFF80  }
0x128: {  	_ =	swait.ge [sflag:s8], $0x80  }
0x129: {  	[sflag:s8] =	ssyncset.done $0x0  }
0x12a: {  	[sflag:s8] =	ssyncadd.s32 $0xFFFFFF80  }
0x12b: {  	_ =	swait.ge [sflag:s8], $0x80  }
0x12c: {  	[sflag:s8] =	ssyncset.done $0x0  }
0x12d: {  	[sflag:s8] =	ssyncadd.s32 $0xFFFFFF80  }
0x12e: {  	_ =	swait.ge [sflag:s8], $0x80  }
0x12f: {  	[sflag:s8] =	ssyncset.done $0x0  }
0x130: {  	[sflag:s8] =	ssyncadd.s32 $0xFFFFFF80  }
0x131: {  	_ =	swait.ge [sflag:s8], $0x80  }
0x132: {  	[sflag:s8] =	ssyncset.done $0x0  }
0x133: {  	[sflag:s8] =	ssyncadd.s32 $0xFFFFFF80  }
0x134: {  	_ =	swait.ge [sflag:s8], $0x80  }
0x135: {  	[sflag:s8] =	ssyncset.done $0x0  }
0x136: {  	[sflag:s8] =	ssyncadd.s32 $0xFFFFFF80  }
0x137: {  	_ =	swait.ge [sflag:s8], $0x80  }
0x138: {  	[sflag:s8] =	ssyncset.done $0x0  }
0x139: {  	[sflag:s8] =	ssyncadd.s32 $0xFFFFFF80  }
0x13a: {  	_ =	swait.ge [sflag:s8], $0x80  }
0x13b: {  	[sflag:s8] =	ssyncset.done $0x0  }
0x13c: {  	[sflag:s8] =	ssyncadd.s32 $0xFFFFFF80  }
0x13d: {  	_ =	swait.ge [sflag:s8], $0x80  }
0x13e: {  	[sflag:s8] =	ssyncset.done $0x0  }
0x13f: {  	[sflag:s8] =	ssyncadd.s32 $0xFFFFFF80  }
0x140: {  	_ =	swait.ge [sflag:s8], $0x80  }
0x141: {  	[sflag:s8] =	ssyncset.done $0x0  }
0x142: {  	[sflag:s8] =	ssyncadd.s32 $0xFFFFFF80  }
0x143: {  	[hbm4b:s3+s2] =	stream.linear.scatter [tilespmem:s4], [sflag:$0x1], $0x200, $0x38;
	[tilespmem:$0x1200] =	vst v63  }
0x144: {  	s1 =	rddreg [dreg:$0x5]  }
0x145: {  	[hbm4b:s1+s2] =	stream.linear.scatter [tilespmem:s5], [sflag:$0x1], $0x200, $0x38;
	[tilespmem:$0x1200] =	vst v63  }
0x146: {  	s19 =	rddreg [dreg:$0x6]  }
0x147: {  	[hbm4b:s19+s2] =	stream.linear.scatter [tilespmem:s6], [sflag:$0x1], $0x200, $0x38;
	[tilespmem:$0x1200] =	vst v63  }
0x148: {  	s1 =	rddreg [dreg:$0x7]  }
0x149: {  	[hbm4b:s1+s2] =	stream.linear.scatter [tilespmem:s7], [sflag:$0x1], $0x200, $0x38;
	[tilespmem:$0x1200] =	vst v63  }
0x14a: {  	s19 =	rddreg [dreg:$0x8]  }
0x14b: {  	[hbm4b:s19+s2] =	stream.linear.scatter [tilespmem:s9], [sflag:$0x1], $0x200, $0x38;
	[tilespmem:$0x1200] =	vst v63  }
0x14c: {  	s1 =	rddreg [dreg:$0x9]  }
0x14d: {  	[hbm4b:s1+s2] =	stream.linear.scatter [tilespmem:s10], [sflag:$0x1], $0x200, $0x38;
	[tilespmem:$0x1200] =	vst v63  }
0x14e: {  	_ =	swait.ge [sflag:s8], $0x200  }
0x14f: {  	[sflag:s8] =	ssyncset.done $0x0  }
0x150: {  	[sflag:s8] =	ssyncadd.s32 $0xFFFFFE00  }
0x151: {  	_ =	swait.ge [sflag:s8], $0x200  }
0x152: {  	[sflag:s8] =	ssyncset.done $0x0  }
0x153: {  	[sflag:s8] =	ssyncadd.s32 $0xFFFFFE00  }
0x154: {  	_ =	swait.ge [sflag:s8], $0x200  }
0x155: {  	[sflag:s8] =	ssyncset.done $0x0  }
0x156: {  	[sflag:s8] =	ssyncadd.s32 $0xFFFFFE00  }
0x157: {  	_ =	swait.ge [sflag:s8], $0x200  }
0x158: {  	[sflag:s8] =	ssyncset.done $0x0  }
0x159: {  	p1 =	sne.s32 s0, $0x1;
	[sflag:s8] =	ssyncadd.s32 $0xFFFFFE00  }
.Ltmp2:
0x15a: {  	_ =	swait.ge [sflag:s8], $0x200;
	(pc) =	sbr.rel @p1 .LBB2_4-.Ltmp2, $4  }
0x15b: {  	[sflag:s8] =	ssyncset.done $0x0  }
0x15c: {  	[sflag:s8] =	ssyncadd.s32 $0xFFFFFE00  }
0x15d: {  	_ =	swait.ge [sflag:s8], $0x200  }
0x15e: {  	s0 =	sadd.s32 $0xFFFFFFFF, s0;
	s1 =	rddreg [dreg:$0x2];
	[sflag:s8] =	ssyncset.done $0x0  }
0x15f: {  	s31 =	simm.s32 $0xF80;
	s30 =	simm.s32 $0x1100;
	s29 =	simm.s32 $0xF00  }
0x160: {  	s28 =	simm.s32 $0x1080;
	s20 =	simm.s32 $0xE80;
	s19 =	rddreg [dreg:$0x1]  }
.LBB2_6:
0x161: {  	[sflag:s8] =	ssyncadd.s32 @p0 $0xFFFFFE00  }
0x162: {  	[tilespmem:s2], [sflag:$0x2] =	stream.linear.gather [hbm4b:s1+s2], $0x200, $0x38;
	[tilespmem:$0x1200] =	vst v63  }
0x163: {  	s0 =	rddreg [dreg:$0x3]  }
0x164: {  	[tilespmem:s16], [sflag:$0x2] =	stream.linear.gather [hbm4b:s0+s2], $0x200, $0x38;
	[tilespmem:$0x1200] =	vst v63  }
0x165: {  	s1 =	rddreg [dreg:$0x4]  }
0x166: {  	[tilespmem:s13], [sflag:$0x2] =	stream.linear.gather [hbm4b:s1+s2], $0x200, $0x38;
	[tilespmem:$0x1200] =	vst v63  }
0x167: {  	_ =	swait.ge [sflag:s15], $0x200  }
0x168: {  	[sflag:s15] =	ssyncset.done $0x0  }
0x169: {  	[sflag:s15] =	ssyncadd.s32 $0xFFFFFE00  }
0x16a: {  	[tilespmem:s4], [sflag:$0x1] =	stream.indirect.gather [hbm4b:s11+s14], $0x1, s2, s14, $0xb8;
	[tilespmem:$0x1200] =	vst v63  }
0x16b: {  	_ = 	snop  }
0x16c: {  	[tilespmem:s5], [sflag:$0x1] =	stream.indirect.gather [hbm4b:s12+s14], $0x1, s2, s14, $0xb8;
	[tilespmem:$0x1200] =	vst v63  }
0x16d: {  	s0 =	rddreg [dreg:$0xa]  }
0x16e: {  	[tilespmem:s0], [sflag:$0x1] =	stream.indirect.gather [hbm4b:s11+s14], $0x1, s14, s14, $0xb8;
	[tilespmem:$0x1200] =	vst v63  }
0x16f: {  	s1 =	rddreg [dreg:$0xb]  }
0x170: {  	[tilespmem:s1], [sflag:$0x1] =	stream.indirect.gather [hbm4b:s12+s14], $0x1, s14, s14, $0xb8;
	[tilespmem:$0x1200] =	vst v63  }
0x171: {  	s0 =	rddreg [dreg:$0xc]  }
0x172: {  	[tilespmem:s0], [sflag:$0x1] =	stream.indirect.gather [hbm4b:s11+s14], $0x1, s24, s14, $0xb8;
	[tilespmem:$0x1200] =	vst v63  }
0x173: {  	s1 =	rddreg [dreg:$0xd]  }
0x174: {  	[tilespmem:s1], [sflag:$0x1] =	stream.indirect.gather [hbm4b:s12+s14], $0x1, s24, s14, $0xb8;
	[tilespmem:$0x1200] =	vst v63  }
0x175: {  	s0 =	rddreg [dreg:$0xe]  }
0x176: {  	[tilespmem:s0], [sflag:$0x1] =	stream.indirect.gather [hbm4b:s11+s14], $0x1, s25, s14, $0xb8;
	[tilespmem:$0x1200] =	vst v63  }
0x177: {  	s24 =	rddreg [dreg:$0xf]  }
0x178: {  	[tilespmem:s24], [sflag:$0x1] =	stream.indirect.gather [hbm4b:s12+s14], $0x1, s25, s14, $0xb8;
	[tilespmem:$0x1200] =	vst v63  }
0x179: {  	_ =	swait.ge [sflag:s15], $0x200  }
0x17a: {  	[sflag:s15] =	ssyncset.done $0x0  }
0x17b: {  	[sflag:s15] =	ssyncadd.s32 $0xFFFFFE00  }
0x17c: {  	[tilespmem:s6], [sflag:$0x1] =	stream.indirect.gather [hbm4b:s11+s14], $0x1, s16, s14, $0xb8;
	[tilespmem:$0x1200] =	vst v63  }
0x17d: {  	_ = 	snop  }
0x17e: {  	[tilespmem:s7], [sflag:$0x1] =	stream.indirect.gather [hbm4b:s12+s14], $0x1, s16, s14, $0xb8;
	[tilespmem:$0x1200] =	vst v63  }
0x17f: {  	s1 =	rddreg [dreg:$0x10]  }
0x180: {  	[tilespmem:s1], [sflag:$0x1] =	stream.indirect.gather [hbm4b:s11+s14], $0x1, s23, s14, $0xb8;
	[tilespmem:$0x1200] =	vst v63  }
0x181: {  	s16 =	rddreg [dreg:$0x11]  }
0x182: {  	[tilespmem:s16], [sflag:$0x1] =	stream.indirect.gather [hbm4b:s12+s14], $0x1, s23, s14, $0xb8;
	[tilespmem:$0x1200] =	vst v63  }
0x183: {  	s24 =	rddreg [dreg:$0x12]  }
0x184: {  	[tilespmem:s24], [sflag:$0x1] =	stream.indirect.gather [hbm4b:s11+s14], $0x1, s21, s14, $0xb8;
	[tilespmem:$0x1200] =	vst v63  }
0x185: {  	s25 =	rddreg [dreg:$0x13]  }
0x186: {  	[tilespmem:s25], [sflag:$0x1] =	stream.indirect.gather [hbm4b:s12+s14], $0x1, s21, s14, $0xb8;
	[tilespmem:$0x1200] =	vst v63  }
0x187: {  	s16 =	rddreg [dreg:$0x14]  }
0x188: {  	[tilespmem:s16], [sflag:$0x1] =	stream.indirect.gather [hbm4b:s11+s14], $0x1, s22, s14, $0xb8;
	[tilespmem:$0x1200] =	vst v63  }
0x189: {  	s23 =	rddreg [dreg:$0x15]  }
0x18a: {  	[tilespmem:s23], [sflag:$0x1] =	stream.indirect.gather [hbm4b:s12+s14], $0x1, s22, s14, $0xb8;
	[tilespmem:$0x1200] =	vst v63  }
0x18b: {  	_ =	swait.ge [sflag:s15], $0x200  }
0x18c: {  	[sflag:s15] =	ssyncset.done $0x0  }
0x18d: {  	[sflag:s15] =	ssyncadd.s32 $0xFFFFFE00  }
0x18e: {  	[tilespmem:s9], [sflag:$0x1] =	stream.indirect.gather [hbm4b:s11+s14], $0x1, s13, s14, $0xb8;
	[tilespmem:$0x1200] =	vst v63  }
0x18f: {  	_ = 	snop  }
0x190: {  	[tilespmem:s10], [sflag:$0x1] =	stream.indirect.gather [hbm4b:s12+s14], $0x1, s13, s14, $0xb8;
	[tilespmem:$0x1200] =	vst v63  }
0x191: {  	_ = 	snop  }
0x192: {  	[tilespmem:s20], [sflag:$0x1] =	stream.indirect.gather [hbm4b:s11+s14], $0x1, s17, s14, $0xb8;
	[tilespmem:$0x1200] =	vst v63  }
0x193: {  	_ = 	snop  }
0x194: {  	[tilespmem:s28], [sflag:$0x1] =	stream.indirect.gather [hbm4b:s12+s14], $0x1, s17, s14, $0xb8;
	[tilespmem:$0x1200] =	vst v63  }
0x195: {  	_ = 	snop  }
0x196: {  	[tilespmem:s29], [sflag:$0x1] =	stream.indirect.gather [hbm4b:s11+s14], $0x1, s18, s14, $0xb8;
	[tilespmem:$0x1200] =	vst v63  }
0x197: {  	_ = 	snop  }
0x198: {  	[tilespmem:s30], [sflag:$0x1] =	stream.indirect.gather [hbm4b:s12+s14], $0x1, s18, s14, $0xb8;
	[tilespmem:$0x1200] =	vst v63  }
0x199: {  	_ = 	snop  }
0x19a: {  	[tilespmem:s31], [sflag:$0x1] =	stream.indirect.gather [hbm4b:s11+s14], $0x1, s26, s14, $0xb8;
	[tilespmem:$0x1200] =	vst v63  }
0x19b: {  	s24 =	simm.s32 $0x1180  }
0x19c: {  	[tilespmem:s24], [sflag:$0x1] =	stream.indirect.gather [hbm4b:s12+s14], $0x1, s26, s14, $0xb8;
	[tilespmem:$0x1200] =	vst v63  }
0x19d: {  	_ =	swait.ge [sflag:s8], $0x80  }
0x19e: {  	[sflag:s8] =	ssyncset.done $0x0  }
0x19f: {  	[sflag:s8] =	ssyncadd.s32 $0xFFFFFF80  }
0x1a0: {  	_ =	swait.ge [sflag:s8], $0x80  }
0x1a1: {  	[sflag:s8] =	ssyncset.done $0x0  }
0x1a2: {  	[sflag:s8] =	ssyncadd.s32 $0xFFFFFF80  }
0x1a3: {  	_ =	swait.ge [sflag:s8], $0x80  }
0x1a4: {  	[sflag:s8] =	ssyncset.done $0x0  }
0x1a5: {  	[sflag:s8] =	ssyncadd.s32 $0xFFFFFF80  }
0x1a6: {  	_ =	swait.ge [sflag:s8], $0x80  }
0x1a7: {  	[sflag:s8] =	ssyncset.done $0x0  }
0x1a8: {  	[sflag:s8] =	ssyncadd.s32 $0xFFFFFF80  }
0x1a9: {  	_ =	swait.ge [sflag:s8], $0x80  }
0x1aa: {  	[sflag:s8] =	ssyncset.done $0x0  }
0x1ab: {  	[sflag:s8] =	ssyncadd.s32 $0xFFFFFF80  }
0x1ac: {  	_ =	swait.ge [sflag:s8], $0x80  }
0x1ad: {  	[sflag:s8] =	ssyncset.done $0x0  }
0x1ae: {  	[sflag:s8] =	ssyncadd.s32 $0xFFFFFF80  }
0x1af: {  	_ =	swait.ge [sflag:s8], $0x80  }
0x1b0: {  	[sflag:s8] =	ssyncset.done $0x0  }
0x1b1: {  	[sflag:s8] =	ssyncadd.s32 $0xFFFFFF80  }
0x1b2: {  	_ =	swait.ge [sflag:s8], $0x80  }
0x1b3: {  	[sflag:s8] =	ssyncset.done $0x0  }
0x1b4: {  	[sflag:s8] =	ssyncadd.s32 $0xFFFFFF80  }
0x1b5: {  	_ =	swait.ge [sflag:s8], $0x80  }
0x1b6: {  	[sflag:s8] =	ssyncset.done $0x0  }
0x1b7: {  	[sflag:s8] =	ssyncadd.s32 $0xFFFFFF80  }
0x1b8: {  	_ =	swait.ge [sflag:s8], $0x80  }
0x1b9: {  	[sflag:s8] =	ssyncset.done $0x0  }
0x1ba: {  	[sflag:s8] =	ssyncadd.s32 $0xFFFFFF80  }
0x1bb: {  	_ =	swait.ge [sflag:s8], $0x80  }
0x1bc: {  	[sflag:s8] =	ssyncset.done $0x0  }
0x1bd: {  	[sflag:s8] =	ssyncadd.s32 $0xFFFFFF80  }
0x1be: {  	_ =	swait.ge [sflag:s8], $0x80  }
0x1bf: {  	[sflag:s8] =	ssyncset.done $0x0  }
0x1c0: {  	[sflag:s8] =	ssyncadd.s32 $0xFFFFFF80  }
0x1c1: {  	_ =	swait.ge [sflag:s8], $0x80  }
0x1c2: {  	[sflag:s8] =	ssyncset.done $0x0  }
0x1c3: {  	[sflag:s8] =	ssyncadd.s32 $0xFFFFFF80  }
0x1c4: {  	_ =	swait.ge [sflag:s8], $0x80  }
0x1c5: {  	[sflag:s8] =	ssyncset.done $0x0  }
0x1c6: {  	[sflag:s8] =	ssyncadd.s32 $0xFFFFFF80  }
0x1c7: {  	_ =	swait.ge [sflag:s8], $0x80  }
0x1c8: {  	[sflag:s8] =	ssyncset.done $0x0  }
0x1c9: {  	[sflag:s8] =	ssyncadd.s32 $0xFFFFFF80  }
0x1ca: {  	_ =	swait.ge [sflag:s8], $0x80  }
0x1cb: {  	[sflag:s8] =	ssyncset.done $0x0  }
0x1cc: {  	[sflag:s8] =	ssyncadd.s32 $0xFFFFFF80  }
0x1cd: {  	_ =	swait.ge [sflag:s8], $0x80  }
0x1ce: {  	[sflag:s8] =	ssyncset.done $0x0  }
0x1cf: {  	[sflag:s8] =	ssyncadd.s32 $0xFFFFFF80  }
0x1d0: {  	_ =	swait.ge [sflag:s8], $0x80  }
0x1d1: {  	[sflag:s8] =	ssyncset.done $0x0  }
0x1d2: {  	[sflag:s8] =	ssyncadd.s32 $0xFFFFFF80  }
0x1d3: {  	_ =	swait.ge [sflag:s8], $0x80  }
0x1d4: {  	[sflag:s8] =	ssyncset.done $0x0  }
0x1d5: {  	[sflag:s8] =	ssyncadd.s32 $0xFFFFFF80  }
0x1d6: {  	_ =	swait.ge [sflag:s8], $0x80  }
0x1d7: {  	[sflag:s8] =	ssyncset.done $0x0  }
0x1d8: {  	[sflag:s8] =	ssyncadd.s32 $0xFFFFFF80  }
0x1d9: {  	_ =	swait.ge [sflag:s8], $0x80  }
0x1da: {  	[sflag:s8] =	ssyncset.done $0x0  }
0x1db: {  	[sflag:s8] =	ssyncadd.s32 $0xFFFFFF80  }
0x1dc: {  	_ =	swait.ge [sflag:s8], $0x80  }
0x1dd: {  	[sflag:s8] =	ssyncset.done $0x0  }
0x1de: {  	[sflag:s8] =	ssyncadd.s32 $0xFFFFFF80  }
0x1df: {  	_ =	swait.ge [sflag:s8], $0x80  }
0x1e0: {  	[sflag:s8] =	ssyncset.done $0x0  }
0x1e1: {  	[sflag:s8] =	ssyncadd.s32 $0xFFFFFF80  }
0x1e2: {  	_ =	swait.ge [sflag:s8], $0x80  }
0x1e3: {  	[sflag:s8] =	ssyncset.done $0x0  }
0x1e4: {  	[sflag:s8] =	ssyncadd.s32 $0xFFFFFF80  }
0x1e5: {  	[hbm4b:s3+s2] =	stream.linear.scatter [tilespmem:s4], [sflag:$0x1], $0x200, $0x38;
	[tilespmem:$0x1200] =	vst v63  }
0x1e6: {  	s25 =	rddreg [dreg:$0x5]  }
0x1e7: {  	[hbm4b:s25+s2] =	stream.linear.scatter [tilespmem:s5], [sflag:$0x1], $0x200, $0x38;
	[tilespmem:$0x1200] =	vst v63  }
0x1e8: {  	s26 =	rddreg [dreg:$0x6]  }
0x1e9: {  	[hbm4b:s26+s2] =	stream.linear.scatter [tilespmem:s6], [sflag:$0x1], $0x200, $0x38;
	[tilespmem:$0x1200] =	vst v63  }
0x1ea: {  	s28 =	rddreg [dreg:$0x7]  }
0x1eb: {  	[hbm4b:s28+s2] =	stream.linear.scatter [tilespmem:s7], [sflag:$0x1], $0x200, $0x38;
	[tilespmem:$0x1200] =	vst v63  }
0x1ec: {  	s29 =	rddreg [dreg:$0x8]  }
0x1ed: {  	[hbm4b:s29+s2] =	stream.linear.scatter [tilespmem:s9], [sflag:$0x1], $0x200, $0x38;
	[tilespmem:$0x1200] =	vst v63  }
0x1ee: {  	s30 =	rddreg [dreg:$0x9]  }
0x1ef: {  	[hbm4b:s30+s2] =	stream.linear.scatter [tilespmem:s10], [sflag:$0x1], $0x200, $0x38;
	[tilespmem:$0x1200] =	vst v63  }
0x1f0: {  	_ =	swait.ge [sflag:s8], $0x200  }
0x1f1: {  	[sflag:s8] =	ssyncset.done $0x0  }
0x1f2: {  	[sflag:s8] =	ssyncadd.s32 $0xFFFFFE00  }
0x1f3: {  	_ =	swait.ge [sflag:s8], $0x200  }
0x1f4: {  	[sflag:s8] =	ssyncset.done $0x0  }
0x1f5: {  	[sflag:s8] =	ssyncadd.s32 $0xFFFFFE00  }
0x1f6: {  	_ =	swait.ge [sflag:s8], $0x200  }
0x1f7: {  	[sflag:s8] =	ssyncset.done $0x0  }
0x1f8: {  	[sflag:s8] =	ssyncadd.s32 $0xFFFFFE00  }
0x1f9: {  	_ =	swait.ge [sflag:s8], $0x200  }
0x1fa: {  	[sflag:s8] =	ssyncset.done $0x0  }
0x1fb: {  	[sflag:s8] =	ssyncadd.s32 $0xFFFFFE00  }
0x1fc: {  	_ =	swait.ge [sflag:s8], $0x200  }
0x1fd: {  	[sflag:s8] =	ssyncset.done $0x0  }
0x1fe: {  	[sflag:s8] =	ssyncadd.s32 $0xFFFFFE00  }
0x1ff: {  	_ =	swait.ge [sflag:s8], $0x200  }
0x200: {  	[sflag:s8] =	ssyncset.done $0x0  }
0x201: {  	[sflag:s8] =	ssyncadd.s32 $0xFFFFFE00  }
0x202: {  	_ =	sfence.sel $0x180000  }
0x203: {  	s31 =	stileid.u32;
	[bflag:$0x0] =	sbarrier.arrive $0xFFFF  }
0x204: {  	p0 =	sne.s32 s31, $0x0;
	_ =	strace $0x90000047  }
0x205: {  	s0 =	sadd.s32 @!p0 $0x100000, s19;
	[bflag:$0x2] =	sbarrier.arrive $0xFFFF  }
0x206: {  	[sflag:s0] =	ssyncadd.tile.s32 @!p0 $0x1;
	_ =	shalt  }
.LBB2_1:
.Ltmp3:
0x207: {  	(pc) =	sbr.rel .LBB2_6-.Ltmp3, $3  }
0x208: {  	_ =	sdelay $0x1  }
0x209: {  	s31 =	simm.s32 $0xF80;
	s30 =	simm.s32 $0x1100  }
0x20a: {  	s29 =	simm.s32 $0xF00;
	s28 =	simm.s32 $0x1080;
	s20 =	simm.s32 $0xE80  }
.LBB2_3:
.Ltmp4:
0x20b: {  	(pc) =	sbr.rel .LBB2_6-.Ltmp4, $3  }
0x20c: {  	_ =	sdelay $0x1  }
0x20d: {  	s31 =	simm.s32 $0xF80;
	s30 =	simm.s32 $0x1100;
	s29 =	simm.s32 $0xF00  }
0x20e: {  	s28 =	simm.s32 $0x1080;
	s20 =	simm.s32 $0xE80;
	s19 =	rddreg [dreg:$0x1]  }
.Lfunc_end2:
_tile_overlayer_lowered:
.L_overlay_start_2:
0x20f: {  	(tag) =	ssettag $0x2  }
0x210: {  	s0 =	rddreg [dreg:$0x0];
	s2 =	stileid.u32  }
0x211: {  	s1 =	rddreg [dreg:$0x1];
	p0 =	sne.s32 s2, $0x0  }
0x212: {  	s3 =	rddreg [dreg:$0x2];
	[bflag:$0x3] =	sbarrier.arrive $0xFFFF;
	s2 =	simm.s32 @!p0 $0x1C03  }
0x213: {  	[timem:s3], [sflag:s2] =	dma.local @!p0 [hbm:s0], s1  }
0x214: {  	s0 =	simm.s32 @!p0 $0x3  }
0x215: {  	_ =	swait.ge @!p0 [sflag:s0], s1  }
0x216: {  	s1 =	ssub.s32 @!p0 $0x0, s1;
	[sflag:s0] =	ssyncset.done @!p0 $0x0  }
0x217: {  	[sflag:s0] =	ssyncadd.s32 @!p0 s1  }
0x218: {  	[bflag:$0x3] =	sbarrier.arrive $0xFFFF  }
0x219: {  	_ =	shalt  }

</sc_bundles>
